<compile_context>
chip_gen: v7x
topology: tpu7x:2x2x1
jax: 0.10.2.dev20260603
libtpu: 0.0.44.dev20260713+nightly
codegen_flags: <defaults>
</compile_context>

<pallas_src>
import jax
import jax.numpy as jnp
from jax import lax
from jax.experimental import pallas as pl
from jax.experimental.pallas import tpu as pltpu
from jax.experimental.pallas import tpu_sc as plsc

VOCAB = 1000
EMB = 64
BATCH = 16384

NC = 2
NS = 16
LANES = 16
NW = NC * NS
PER_W = BATCH // NW
CHUNK = 128
NCHUNK = PER_W // CHUNK


def _body(tgt_hbm, ctx_hbm, in_hbm, out_hbm, scores_hbm,
          tidx_v, cidx_v, trows_v, crows_v, out_v, in_sh, out_sh,
          sem0, sem1, sem2, sem3):
    sems = [sem0, sem1, sem2, sem3]
    c = lax.axis_index("c")
    s = lax.axis_index("s")
    wid = s * NC + c
    row0 = wid * NCHUNK

    @pl.when(s == 0)
    def _load_tables():
        cp_in = pltpu.async_copy(in_hbm, in_sh, sem0)
        cp_out = pltpu.async_copy(out_hbm, out_sh, sem1)
        cp_in.wait()
        cp_out.wait()

    pltpu.sync_copy(tgt_hbm.at[pl.ds(row0, NCHUNK)], tidx_v)
    pltpu.sync_copy(ctx_hbm.at[pl.ds(row0, NCHUNK)], cidx_v)

    plsc.subcore_barrier()

    copies = []
    for j in range(NCHUNK):
        sem = sems[j // (NCHUNK // 2)]
        copies.append(pltpu.async_copy(
            in_sh.at[tidx_v.at[j]], trows_v.at[pl.ds(j * CHUNK, CHUNK)],
            sem))
        copies.append(pltpu.async_copy(
            out_sh.at[cidx_v.at[j]], crows_v.at[pl.ds(j * CHUNK, CHUNK)],
            sem))

    iota = lax.iota(jnp.int32, LANES)

    def group(g, _):
        rvec = g * LANES + iota

        def inner(eo, accs):
            a0, a1, a2, a3 = accs
            outs = []
            for k, a in enumerate((a0, a1, a2, a3)):
                cvec = (iota + (eo * 4 + k)) & (EMB - 1)
                tv = plsc.load_gather(trows_v, [rvec, cvec])
                cv = plsc.load_gather(crows_v, [rvec, cvec])
                outs.append(a + tv * cv)
            return tuple(outs)

        zero = jnp.zeros((LANES,), jnp.float32)
        accs = lax.fori_loop(0, EMB // 4, inner, (zero, zero, zero, zero),
                             unroll=4)
        acc = (accs[0] + accs[1]) + (accs[2] + accs[3])
        out_v[pl.ds(g * LANES, LANES)] = acc
        return 0

    half = PER_W // LANES // 2
    for cp in copies[:4]:
        cp.wait()
    lax.fori_loop(0, half, group, 0)
    for cp in copies[4:]:
        cp.wait()
    lax.fori_loop(half, 2 * half, group, 0)

    pltpu.sync_copy(out_v, scores_hbm.at[pl.ds(wid * PER_W, PER_W)])


@jax.jit
def kernel(target, context, in_table, out_table):
    mesh = plsc.VectorSubcoreMesh(core_axis_name="c", subcore_axis_name="s",
                                  num_cores=NC, num_subcores=NS)
    run = pl.kernel(
        _body,
        out_type=jax.ShapeDtypeStruct((BATCH,), jnp.float32),
        mesh=mesh,
        compiler_params=pltpu.CompilerParams(needs_layout_passes=False,
                                             use_tc_tiling_on_sc=False,
                                             disable_bounds_checks=True),
        scratch_types=[
            pltpu.VMEM((NCHUNK, CHUNK), jnp.int32),
            pltpu.VMEM((NCHUNK, CHUNK), jnp.int32),
            pltpu.VMEM((PER_W, EMB), jnp.float32),
            pltpu.VMEM((PER_W, EMB), jnp.float32),
            pltpu.VMEM((PER_W,), jnp.float32),
            pltpu.VMEM_SHARED((VOCAB, EMB), jnp.float32),
            pltpu.VMEM_SHARED((VOCAB, EMB), jnp.float32),
            pltpu.SemaphoreType.DMA,
            pltpu.SemaphoreType.DMA,
            pltpu.SemaphoreType.DMA,
            pltpu.SemaphoreType.DMA,
        ],
    )
    return run(target.reshape(BATCH // CHUNK, CHUNK).astype(jnp.int32),
               context.reshape(BATCH // CHUNK, CHUNK).astype(jnp.int32),
               in_table, out_table)

# --- scband reference (transcript-rebuilt; emitter-appended) ---
"""Pipeline reference for scband-skip-gram-17265768530212 (READ-ONLY COPY).

The authoritative reference and input builder live on the scoring server;
editing this copy changes nothing except your own understanding.
"""

import jax, jax.numpy as jnp
import numpy as np

VOCAB = 1000
EMB = 64
BATCH = 16384


def setup_inputs(seed: int = 0) -> dict:
    key = jax.random.key(seed)
    k1, k2, k3, k4 = jax.random.split(key, 4)
    target = jax.random.randint(k1, (BATCH,), 0, VOCAB, dtype=jnp.int64) if jax.config.jax_enable_x64 else jax.random.randint(k1, (BATCH,), 0, VOCAB, dtype=jnp.int32)
    context = jax.random.randint(k2, (BATCH,), 0, VOCAB, dtype=jnp.int64) if jax.config.jax_enable_x64 else jax.random.randint(k2, (BATCH,), 0, VOCAB, dtype=jnp.int32)
    in_table = jax.random.normal(k3, (VOCAB, EMB), dtype=jnp.float32)
    out_table = jax.random.normal(k4, (VOCAB, EMB), dtype=jnp.float32)
    return {"target": target, "context": context, "in_table": in_table, "out_table": out_table}


def reference(target, context, in_table, out_table):
    # target_emb = in_embedding(target)
    target_emb = jnp.take(in_table, target, axis=0)
    # context_emb = out_embedding(context)
    context_emb = jnp.take(out_table, context, axis=0)
    # scores = sum(target_emb * context_emb, dim=1)
    scores = jnp.sum(target_emb * context_emb, axis=1)
    return scores

if __name__ == "__main__":
    import jax
    _d = setup_inputs()
    print(jax.jit(kernel)(*tuple(_d.values())))

</pallas_src>

<mosaic_0001>
#map = affine_map<(d0, d1) -> (0, 0)>
#map1 = affine_map<(d0, d1) -> (0)>
module attributes {stable_mosaic.version = 14 : i64} {
  func.func @_body(%arg0: i32, %arg1: i32, %arg2: memref<128x128xi32, #tpu.memory_space<hbm>>, %arg3: memref<128x128xi32, #tpu.memory_space<hbm>>, %arg4: memref<1000x64xf32, #tpu.memory_space<hbm>>, %arg5: memref<1000x64xf32, #tpu.memory_space<hbm>>, %arg6: memref<16384xf32, #tpu.memory_space<hbm>>, %arg7: memref<4x128xi32, #tpu.memory_space<vmem>>, %arg8: memref<4x128xi32, #tpu.memory_space<vmem>>, %arg9: memref<512x64xf32, #tpu.memory_space<vmem>>, %arg10: memref<512x64xf32, #tpu.memory_space<vmem>>, %arg11: memref<512xf32, #tpu.memory_space<vmem>>, %arg12: memref<1000x64xf32, #tpu.memory_space<vmem_shared>>, %arg13: memref<1000x64xf32, #tpu.memory_space<vmem_shared>>, %arg14: memref<!tpu.dma_semaphore, #tpu.memory_space<semaphore_mem>>, %arg15: memref<!tpu.dma_semaphore, #tpu.memory_space<semaphore_mem>>, %arg16: memref<!tpu.dma_semaphore, #tpu.memory_space<semaphore_mem>>, %arg17: memref<!tpu.dma_semaphore, #tpu.memory_space<semaphore_mem>>) attributes {dimension_semantics = [#tpu.dimension_semantics<core_parallel>, #tpu.dimension_semantics<subcore_parallel>], iteration_bounds = array<i64: 2, 16>, scalar_prefetch = 0 : i64, scratch_operands = 11 : i64, tpu.core_type = #tpu.core_type<sc_vector_subcore>, window_params = [{transform_indices = #map}, {transform_indices = #map}, {transform_indices = #map}, {transform_indices = #map}, {transform_indices = #map1}]} {
    %mul3A = arith.constant 2 : i32
    %mul3A_0 = arith.muli %arg1, %mul3A : i32
    %add3A = arith.addi %mul3A_0, %arg0 : i32
    %mul3A_1 = arith.constant 4 : i32
    %mul3A_2 = arith.muli %add3A, %mul3A_1 : i32
    %eq3A = arith.constant 0 : i32
    %eq3A_3 = arith.cmpi eq, %arg1, %eq3A : i32
    %convert_element_type3A = arith.extui %eq3A_3 : i1 to i32
    %cond3A = arith.constant 0 : i32
    %cond3A_4 = arith.cmpi ne, %convert_element_type3A, %cond3A : i32
    scf.if %cond3A_4 {
      tpu.enqueue_dma source(%arg4 : memref<1000x64xf32, #tpu.memory_space<hbm>>) target(%arg12 : memref<1000x64xf32, #tpu.memory_space<vmem_shared>>) target_semaphore(%arg14 : memref<!tpu.dma_semaphore, #tpu.memory_space<semaphore_mem>>)
      tpu.enqueue_dma source(%arg5 : memref<1000x64xf32, #tpu.memory_space<hbm>>) target(%arg13 : memref<1000x64xf32, #tpu.memory_space<vmem_shared>>) target_semaphore(%arg15 : memref<!tpu.dma_semaphore, #tpu.memory_space<semaphore_mem>>)
      tpu.wait_dma2 semaphore(%arg14 : memref<!tpu.dma_semaphore, #tpu.memory_space<semaphore_mem>>) src(%arg4 : memref<1000x64xf32, #tpu.memory_space<hbm>>) dst(%arg12 : memref<1000x64xf32, #tpu.memory_space<vmem_shared>>)
      tpu.wait_dma2 semaphore(%arg15 : memref<!tpu.dma_semaphore, #tpu.memory_space<semaphore_mem>>) src(%arg5 : memref<1000x64xf32, #tpu.memory_space<hbm>>) dst(%arg13 : memref<1000x64xf32, #tpu.memory_space<vmem_shared>>)
    } else {
    }
    "tpu.region"() ({
      %run_scoped3A = tpu.sem_alloc : memref<!tpu.dma_semaphore, #tpu.memory_space<semaphore_mem>>
      %dma_start3A_178 = arith.constant 0 : i32
      %dma_start3A_179 = tpu.memref_slice %arg2[%mul3A_2, %dma_start3A_178] : memref<128x128xi32, #tpu.memory_space<hbm>> -> memref<4x128xi32, #tpu.memory_space<hbm>>
      %dma_start3A_180 = arith.constant 0 : i32
      %dma_start3A_181 = tpu.memref_slice %arg2[%mul3A_2, %dma_start3A_180] : memref<128x128xi32, #tpu.memory_space<hbm>> -> memref<4x128xi32, #tpu.memory_space<hbm>>
      tpu.enqueue_dma source(%dma_start3A_181 : memref<4x128xi32, #tpu.memory_space<hbm>>) target(%arg7 : memref<4x128xi32, #tpu.memory_space<vmem>>) target_semaphore(%run_scoped3A : memref<!tpu.dma_semaphore, #tpu.memory_space<semaphore_mem>>)
      %dma_wait3A_182 = arith.constant 0 : i32
      %dma_wait3A_183 = tpu.memref_slice %arg2[%mul3A_2, %dma_wait3A_182] : memref<128x128xi32, #tpu.memory_space<hbm>> -> memref<4x128xi32, #tpu.memory_space<hbm>>
      %dma_wait3A_184 = arith.constant 0 : i32
      %dma_wait3A_185 = tpu.memref_slice %arg2[%mul3A_2, %dma_wait3A_184] : memref<128x128xi32, #tpu.memory_space<hbm>> -> memref<4x128xi32, #tpu.memory_space<hbm>>
      tpu.wait_dma2 semaphore(%run_scoped3A : memref<!tpu.dma_semaphore, #tpu.memory_space<semaphore_mem>>) src(%dma_wait3A_185 : memref<4x128xi32, #tpu.memory_space<hbm>>) dst(%arg7 : memref<4x128xi32, #tpu.memory_space<vmem>>)
      tpu.yield
    }) : () -> ()
    "tpu.region"() ({
      %run_scoped3A = tpu.sem_alloc : memref<!tpu.dma_semaphore, #tpu.memory_space<semaphore_mem>>
      %dma_start3A_178 = arith.constant 0 : i32
      %dma_start3A_179 = tpu.memref_slice %arg3[%mul3A_2, %dma_start3A_178] : memref<128x128xi32, #tpu.memory_space<hbm>> -> memref<4x128xi32, #tpu.memory_space<hbm>>
      %dma_start3A_180 = arith.constant 0 : i32
      %dma_start3A_181 = tpu.memref_slice %arg3[%mul3A_2, %dma_start3A_180] : memref<128x128xi32, #tpu.memory_space<hbm>> -> memref<4x128xi32, #tpu.memory_space<hbm>>
      tpu.enqueue_dma source(%dma_start3A_181 : memref<4x128xi32, #tpu.memory_space<hbm>>) target(%arg8 : memref<4x128xi32, #tpu.memory_space<vmem>>) target_semaphore(%run_scoped3A : memref<!tpu.dma_semaphore, #tpu.memory_space<semaphore_mem>>)
      %dma_wait3A_182 = arith.constant 0 : i32
      %dma_wait3A_183 = tpu.memref_slice %arg3[%mul3A_2, %dma_wait3A_182] : memref<128x128xi32, #tpu.memory_space<hbm>> -> memref<4x128xi32, #tpu.memory_space<hbm>>
      %dma_wait3A_184 = arith.constant 0 : i32
      %dma_wait3A_185 = tpu.memref_slice %arg3[%mul3A_2, %dma_wait3A_184] : memref<128x128xi32, #tpu.memory_space<hbm>> -> memref<4x128xi32, #tpu.memory_space<hbm>>
      tpu.wait_dma2 semaphore(%run_scoped3A : memref<!tpu.dma_semaphore, #tpu.memory_space<semaphore_mem>>) src(%dma_wait3A_185 : memref<4x128xi32, #tpu.memory_space<hbm>>) dst(%arg8 : memref<4x128xi32, #tpu.memory_space<vmem>>)
      tpu.yield
    }) : () -> ()
    %barrier3A = arith.constant 0 : index
    tpu.barrier barrier_id(%barrier3A)
    %dma_start3A = arith.constant 0 : i32
    %dma_start3A_5 = arith.constant 0 : i32
    %dma_start3A_6 = arith.constant 0 : i32
    %dma_start3A_7 = tpu.memref_slice %arg9[%dma_start3A_5, %dma_start3A_6] : memref<512x64xf32, #tpu.memory_space<vmem>> -> memref<128x64xf32, #tpu.memory_space<vmem>>
    %dma_start3A_8 = arith.constant 0 : i32
    %dma_start3A_9 = tpu.memref_slice %arg7[%dma_start3A, %dma_start3A_8] : memref<4x128xi32, #tpu.memory_space<vmem>> -> memref<1x128xi32, #tpu.memory_space<vmem>>
    %dma_start3A_10 = tpu.memref_squeeze %dma_start3A_9 : memref<1x128xi32, #tpu.memory_space<vmem>> -> memref<128xi32, #tpu.memory_space<vmem>>
    %dma_start3A_11 = arith.constant 0 : i32
    %dma_start3A_12 = arith.constant 0 : i32
    %dma_start3A_13 = tpu.memref_slice %arg12[%dma_start3A_11, %dma_start3A_12] : memref<1000x64xf32, #tpu.memory_space<vmem_shared>> -> memref<1000x64xf32, #tpu.memory_space<vmem_shared>>
    tpu.enqueue_indirect_dma source(%dma_start3A_13 : memref<1000x64xf32, #tpu.memory_space<vmem_shared>>) target(%dma_start3A_7 : memref<128x64xf32, #tpu.memory_space<vmem>>) offsets(%dma_start3A_10 : memref<128xi32, #tpu.memory_space<vmem>>) semaphore(%arg14 : memref<!tpu.dma_semaphore, #tpu.memory_space<semaphore_mem>>)
    %dma_start3A_14 = arith.constant 0 : i32
    %dma_start3A_15 = arith.constant 0 : i32
    %dma_start3A_16 = arith.constant 0 : i32
    %dma_start3A_17 = tpu.memref_slice %arg10[%dma_start3A_15, %dma_start3A_16] : memref<512x64xf32, #tpu.memory_space<vmem>> -> memref<128x64xf32, #tpu.memory_space<vmem>>
    %dma_start3A_18 = arith.constant 0 : i32
    %dma_start3A_19 = tpu.memref_slice %arg8[%dma_start3A_14, %dma_start3A_18] : memref<4x128xi32, #tpu.memory_space<vmem>> -> memref<1x128xi32, #tpu.memory_space<vmem>>
    %dma_start3A_20 = tpu.memref_squeeze %dma_start3A_19 : memref<1x128xi32, #tpu.memory_space<vmem>> -> memref<128xi32, #tpu.memory_space<vmem>>
    %dma_start3A_21 = arith.constant 0 : i32
    %dma_start3A_22 = arith.constant 0 : i32
    %dma_start3A_23 = tpu.memref_slice %arg13[%dma_start3A_21, %dma_start3A_22] : memref<1000x64xf32, #tpu.memory_space<vmem_shared>> -> memref<1000x64xf32, #tpu.memory_space<vmem_shared>>
    tpu.enqueue_indirect_dma source(%dma_start3A_23 : memref<1000x64xf32, #tpu.memory_space<vmem_shared>>) target(%dma_start3A_17 : memref<128x64xf32, #tpu.memory_space<vmem>>) offsets(%dma_start3A_20 : memref<128xi32, #tpu.memory_space<vmem>>) semaphore(%arg14 : memref<!tpu.dma_semaphore, #tpu.memory_space<semaphore_mem>>)
    %dma_start3A_24 = arith.constant 1 : i32
    %dma_start3A_25 = arith.constant 128 : i32
    %dma_start3A_26 = arith.constant 0 : i32
    %dma_start3A_27 = tpu.memref_slice %arg9[%dma_start3A_25, %dma_start3A_26] : memref<512x64xf32, #tpu.memory_space<vmem>> -> memref<128x64xf32, #tpu.memory_space<vmem>>
    %dma_start3A_28 = arith.constant 0 : i32
    %dma_start3A_29 = tpu.memref_slice %arg7[%dma_start3A_24, %dma_start3A_28] : memref<4x128xi32, #tpu.memory_space<vmem>> -> memref<1x128xi32, #tpu.memory_space<vmem>>
    %dma_start3A_30 = tpu.memref_squeeze %dma_start3A_29 : memref<1x128xi32, #tpu.memory_space<vmem>> -> memref<128xi32, #tpu.memory_space<vmem>>
    %dma_start3A_31 = arith.constant 0 : i32
    %dma_start3A_32 = arith.constant 0 : i32
    %dma_start3A_33 = tpu.memref_slice %arg12[%dma_start3A_31, %dma_start3A_32] : memref<1000x64xf32, #tpu.memory_space<vmem_shared>> -> memref<1000x64xf32, #tpu.memory_space<vmem_shared>>
    tpu.enqueue_indirect_dma source(%dma_start3A_33 : memref<1000x64xf32, #tpu.memory_space<vmem_shared>>) target(%dma_start3A_27 : memref<128x64xf32, #tpu.memory_space<vmem>>) offsets(%dma_start3A_30 : memref<128xi32, #tpu.memory_space<vmem>>) semaphore(%arg14 : memref<!tpu.dma_semaphore, #tpu.memory_space<semaphore_mem>>)
    %dma_start3A_34 = arith.constant 1 : i32
    %dma_start3A_35 = arith.constant 128 : i32
    %dma_start3A_36 = arith.constant 0 : i32
    %dma_start3A_37 = tpu.memref_slice %arg10[%dma_start3A_35, %dma_start3A_36] : memref<512x64xf32, #tpu.memory_space<vmem>> -> memref<128x64xf32, #tpu.memory_space<vmem>>
    %dma_start3A_38 = arith.constant 0 : i32
    %dma_start3A_39 = tpu.memref_slice %arg8[%dma_start3A_34, %dma_start3A_38] : memref<4x128xi32, #tpu.memory_space<vmem>> -> memref<1x128xi32, #tpu.memory_space<vmem>>
    %dma_start3A_40 = tpu.memref_squeeze %dma_start3A_39 : memref<1x128xi32, #tpu.memory_space<vmem>> -> memref<128xi32, #tpu.memory_space<vmem>>
    %dma_start3A_41 = arith.constant 0 : i32
    %dma_start3A_42 = arith.constant 0 : i32
    %dma_start3A_43 = tpu.memref_slice %arg13[%dma_start3A_41, %dma_start3A_42] : memref<1000x64xf32, #tpu.memory_space<vmem_shared>> -> memref<1000x64xf32, #tpu.memory_space<vmem_shared>>
    tpu.enqueue_indirect_dma source(%dma_start3A_43 : memref<1000x64xf32, #tpu.memory_space<vmem_shared>>) target(%dma_start3A_37 : memref<128x64xf32, #tpu.memory_space<vmem>>) offsets(%dma_start3A_40 : memref<128xi32, #tpu.memory_space<vmem>>) semaphore(%arg14 : memref<!tpu.dma_semaphore, #tpu.memory_space<semaphore_mem>>)
    %dma_start3A_44 = arith.constant 2 : i32
    %dma_start3A_45 = arith.constant 256 : i32
    %dma_start3A_46 = arith.constant 0 : i32
    %dma_start3A_47 = tpu.memref_slice %arg9[%dma_start3A_45, %dma_start3A_46] : memref<512x64xf32, #tpu.memory_space<vmem>> -> memref<128x64xf32, #tpu.memory_space<vmem>>
    %dma_start3A_48 = arith.constant 0 : i32
    %dma_start3A_49 = tpu.memref_slice %arg7[%dma_start3A_44, %dma_start3A_48] : memref<4x128xi32, #tpu.memory_space<vmem>> -> memref<1x128xi32, #tpu.memory_space<vmem>>
    %dma_start3A_50 = tpu.memref_squeeze %dma_start3A_49 : memref<1x128xi32, #tpu.memory_space<vmem>> -> memref<128xi32, #tpu.memory_space<vmem>>
    %dma_start3A_51 = arith.constant 0 : i32
    %dma_start3A_52 = arith.constant 0 : i32
    %dma_start3A_53 = tpu.memref_slice %arg12[%dma_start3A_51, %dma_start3A_52] : memref<1000x64xf32, #tpu.memory_space<vmem_shared>> -> memref<1000x64xf32, #tpu.memory_space<vmem_shared>>
    tpu.enqueue_indirect_dma source(%dma_start3A_53 : memref<1000x64xf32, #tpu.memory_space<vmem_shared>>) target(%dma_start3A_47 : memref<128x64xf32, #tpu.memory_space<vmem>>) offsets(%dma_start3A_50 : memref<128xi32, #tpu.memory_space<vmem>>) semaphore(%arg15 : memref<!tpu.dma_semaphore, #tpu.memory_space<semaphore_mem>>)
    %dma_start3A_54 = arith.constant 2 : i32
    %dma_start3A_55 = arith.constant 256 : i32
    %dma_start3A_56 = arith.constant 0 : i32
    %dma_start3A_57 = tpu.memref_slice %arg10[%dma_start3A_55, %dma_start3A_56] : memref<512x64xf32, #tpu.memory_space<vmem>> -> memref<128x64xf32, #tpu.memory_space<vmem>>
    %dma_start3A_58 = arith.constant 0 : i32
    %dma_start3A_59 = tpu.memref_slice %arg8[%dma_start3A_54, %dma_start3A_58] : memref<4x128xi32, #tpu.memory_space<vmem>> -> memref<1x128xi32, #tpu.memory_space<vmem>>
    %dma_start3A_60 = tpu.memref_squeeze %dma_start3A_59 : memref<1x128xi32, #tpu.memory_space<vmem>> -> memref<128xi32, #tpu.memory_space<vmem>>
    %dma_start3A_61 = arith.constant 0 : i32
    %dma_start3A_62 = arith.constant 0 : i32
    %dma_start3A_63 = tpu.memref_slice %arg13[%dma_start3A_61, %dma_start3A_62] : memref<1000x64xf32, #tpu.memory_space<vmem_shared>> -> memref<1000x64xf32, #tpu.memory_space<vmem_shared>>
    tpu.enqueue_indirect_dma source(%dma_start3A_63 : memref<1000x64xf32, #tpu.memory_space<vmem_shared>>) target(%dma_start3A_57 : memref<128x64xf32, #tpu.memory_space<vmem>>) offsets(%dma_start3A_60 : memref<128xi32, #tpu.memory_space<vmem>>) semaphore(%arg15 : memref<!tpu.dma_semaphore, #tpu.memory_space<semaphore_mem>>)
    %dma_start3A_64 = arith.constant 3 : i32
    %dma_start3A_65 = arith.constant 384 : i32
    %dma_start3A_66 = arith.constant 0 : i32
    %dma_start3A_67 = tpu.memref_slice %arg9[%dma_start3A_65, %dma_start3A_66] : memref<512x64xf32, #tpu.memory_space<vmem>> -> memref<128x64xf32, #tpu.memory_space<vmem>>
    %dma_start3A_68 = arith.constant 0 : i32
    %dma_start3A_69 = tpu.memref_slice %arg7[%dma_start3A_64, %dma_start3A_68] : memref<4x128xi32, #tpu.memory_space<vmem>> -> memref<1x128xi32, #tpu.memory_space<vmem>>
    %dma_start3A_70 = tpu.memref_squeeze %dma_start3A_69 : memref<1x128xi32, #tpu.memory_space<vmem>> -> memref<128xi32, #tpu.memory_space<vmem>>
    %dma_start3A_71 = arith.constant 0 : i32
    %dma_start3A_72 = arith.constant 0 : i32
    %dma_start3A_73 = tpu.memref_slice %arg12[%dma_start3A_71, %dma_start3A_72] : memref<1000x64xf32, #tpu.memory_space<vmem_shared>> -> memref<1000x64xf32, #tpu.memory_space<vmem_shared>>
    tpu.enqueue_indirect_dma source(%dma_start3A_73 : memref<1000x64xf32, #tpu.memory_space<vmem_shared>>) target(%dma_start3A_67 : memref<128x64xf32, #tpu.memory_space<vmem>>) offsets(%dma_start3A_70 : memref<128xi32, #tpu.memory_space<vmem>>) semaphore(%arg15 : memref<!tpu.dma_semaphore, #tpu.memory_space<semaphore_mem>>)
    %dma_start3A_74 = arith.constant 3 : i32
    %dma_start3A_75 = arith.constant 384 : i32
    %dma_start3A_76 = arith.constant 0 : i32
    %dma_start3A_77 = tpu.memref_slice %arg10[%dma_start3A_75, %dma_start3A_76] : memref<512x64xf32, #tpu.memory_space<vmem>> -> memref<128x64xf32, #tpu.memory_space<vmem>>
    %dma_start3A_78 = arith.constant 0 : i32
    %dma_start3A_79 = tpu.memref_slice %arg8[%dma_start3A_74, %dma_start3A_78] : memref<4x128xi32, #tpu.memory_space<vmem>> -> memref<1x128xi32, #tpu.memory_space<vmem>>
    %dma_start3A_80 = tpu.memref_squeeze %dma_start3A_79 : memref<1x128xi32, #tpu.memory_space<vmem>> -> memref<128xi32, #tpu.memory_space<vmem>>
    %dma_start3A_81 = arith.constant 0 : i32
    %dma_start3A_82 = arith.constant 0 : i32
    %dma_start3A_83 = tpu.memref_slice %arg13[%dma_start3A_81, %dma_start3A_82] : memref<1000x64xf32, #tpu.memory_space<vmem_shared>> -> memref<1000x64xf32, #tpu.memory_space<vmem_shared>>
    tpu.enqueue_indirect_dma source(%dma_start3A_83 : memref<1000x64xf32, #tpu.memory_space<vmem_shared>>) target(%dma_start3A_77 : memref<128x64xf32, #tpu.memory_space<vmem>>) offsets(%dma_start3A_80 : memref<128xi32, #tpu.memory_space<vmem>>) semaphore(%arg15 : memref<!tpu.dma_semaphore, #tpu.memory_space<semaphore_mem>>)
    %iota3A = tpu.iota {dimensions = array<i32: 0>} : vector<16xi32>
    %dma_wait3A = arith.constant 0 : i32
    %dma_wait3A_84 = arith.constant 0 : i32
    %dma_wait3A_85 = arith.constant 0 : i32
    %dma_wait3A_86 = tpu.memref_slice %arg9[%dma_wait3A_84, %dma_wait3A_85] : memref<512x64xf32, #tpu.memory_space<vmem>> -> memref<128x64xf32, #tpu.memory_space<vmem>>
    %dma_wait3A_87 = arith.constant 0 : i32
    %dma_wait3A_88 = tpu.memref_slice %arg7[%dma_wait3A, %dma_wait3A_87] : memref<4x128xi32, #tpu.memory_space<vmem>> -> memref<1x128xi32, #tpu.memory_space<vmem>>
    %dma_wait3A_89 = tpu.memref_squeeze %dma_wait3A_88 : memref<1x128xi32, #tpu.memory_space<vmem>> -> memref<128xi32, #tpu.memory_space<vmem>>
    %dma_wait3A_90 = arith.constant 0 : i32
    %dma_wait3A_91 = arith.constant 0 : i32
    %dma_wait3A_92 = tpu.memref_slice %arg12[%dma_wait3A_90, %dma_wait3A_91] : memref<1000x64xf32, #tpu.memory_space<vmem_shared>> -> memref<1000x64xf32, #tpu.memory_space<vmem_shared>>
    tpu.wait_indirect_dma semaphore(%arg14 : memref<!tpu.dma_semaphore, #tpu.memory_space<semaphore_mem>>) src(%dma_wait3A_92 : memref<1000x64xf32, #tpu.memory_space<vmem_shared>>) dst(%dma_wait3A_86 : memref<128x64xf32, #tpu.memory_space<vmem>>)
    %dma_wait3A_93 = arith.constant 0 : i32
    %dma_wait3A_94 = arith.constant 0 : i32
    %dma_wait3A_95 = arith.constant 0 : i32
    %dma_wait3A_96 = tpu.memref_slice %arg10[%dma_wait3A_94, %dma_wait3A_95] : memref<512x64xf32, #tpu.memory_space<vmem>> -> memref<128x64xf32, #tpu.memory_space<vmem>>
    %dma_wait3A_97 = arith.constant 0 : i32
    %dma_wait3A_98 = tpu.memref_slice %arg8[%dma_wait3A_93, %dma_wait3A_97] : memref<4x128xi32, #tpu.memory_space<vmem>> -> memref<1x128xi32, #tpu.memory_space<vmem>>
    %dma_wait3A_99 = tpu.memref_squeeze %dma_wait3A_98 : memref<1x128xi32, #tpu.memory_space<vmem>> -> memref<128xi32, #tpu.memory_space<vmem>>
    %dma_wait3A_100 = arith.constant 0 : i32
    %dma_wait3A_101 = arith.constant 0 : i32
    %dma_wait3A_102 = tpu.memref_slice %arg13[%dma_wait3A_100, %dma_wait3A_101] : memref<1000x64xf32, #tpu.memory_space<vmem_shared>> -> memref<1000x64xf32, #tpu.memory_space<vmem_shared>>
    tpu.wait_indirect_dma semaphore(%arg14 : memref<!tpu.dma_semaphore, #tpu.memory_space<semaphore_mem>>) src(%dma_wait3A_102 : memref<1000x64xf32, #tpu.memory_space<vmem_shared>>) dst(%dma_wait3A_96 : memref<128x64xf32, #tpu.memory_space<vmem>>)
    %dma_wait3A_103 = arith.constant 1 : i32
    %dma_wait3A_104 = arith.constant 128 : i32
    %dma_wait3A_105 = arith.constant 0 : i32
    %dma_wait3A_106 = tpu.memref_slice %arg9[%dma_wait3A_104, %dma_wait3A_105] : memref<512x64xf32, #tpu.memory_space<vmem>> -> memref<128x64xf32, #tpu.memory_space<vmem>>
    %dma_wait3A_107 = arith.constant 0 : i32
    %dma_wait3A_108 = tpu.memref_slice %arg7[%dma_wait3A_103, %dma_wait3A_107] : memref<4x128xi32, #tpu.memory_space<vmem>> -> memref<1x128xi32, #tpu.memory_space<vmem>>
    %dma_wait3A_109 = tpu.memref_squeeze %dma_wait3A_108 : memref<1x128xi32, #tpu.memory_space<vmem>> -> memref<128xi32, #tpu.memory_space<vmem>>
    %dma_wait3A_110 = arith.constant 0 : i32
    %dma_wait3A_111 = arith.constant 0 : i32
    %dma_wait3A_112 = tpu.memref_slice %arg12[%dma_wait3A_110, %dma_wait3A_111] : memref<1000x64xf32, #tpu.memory_space<vmem_shared>> -> memref<1000x64xf32, #tpu.memory_space<vmem_shared>>
    tpu.wait_indirect_dma semaphore(%arg14 : memref<!tpu.dma_semaphore, #tpu.memory_space<semaphore_mem>>) src(%dma_wait3A_112 : memref<1000x64xf32, #tpu.memory_space<vmem_shared>>) dst(%dma_wait3A_106 : memref<128x64xf32, #tpu.memory_space<vmem>>)
    %dma_wait3A_113 = arith.constant 1 : i32
    %dma_wait3A_114 = arith.constant 128 : i32
    %dma_wait3A_115 = arith.constant 0 : i32
    %dma_wait3A_116 = tpu.memref_slice %arg10[%dma_wait3A_114, %dma_wait3A_115] : memref<512x64xf32, #tpu.memory_space<vmem>> -> memref<128x64xf32, #tpu.memory_space<vmem>>
    %dma_wait3A_117 = arith.constant 0 : i32
    %dma_wait3A_118 = tpu.memref_slice %arg8[%dma_wait3A_113, %dma_wait3A_117] : memref<4x128xi32, #tpu.memory_space<vmem>> -> memref<1x128xi32, #tpu.memory_space<vmem>>
    %dma_wait3A_119 = tpu.memref_squeeze %dma_wait3A_118 : memref<1x128xi32, #tpu.memory_space<vmem>> -> memref<128xi32, #tpu.memory_space<vmem>>
    %dma_wait3A_120 = arith.constant 0 : i32
    %dma_wait3A_121 = arith.constant 0 : i32
    %dma_wait3A_122 = tpu.memref_slice %arg13[%dma_wait3A_120, %dma_wait3A_121] : memref<1000x64xf32, #tpu.memory_space<vmem_shared>> -> memref<1000x64xf32, #tpu.memory_space<vmem_shared>>
    tpu.wait_indirect_dma semaphore(%arg14 : memref<!tpu.dma_semaphore, #tpu.memory_space<semaphore_mem>>) src(%dma_wait3A_122 : memref<1000x64xf32, #tpu.memory_space<vmem_shared>>) dst(%dma_wait3A_116 : memref<128x64xf32, #tpu.memory_space<vmem>>)
    %scan3A = arith.constant 0 : i32
    %scan3A_123 = arith.constant 0 : i32
    %scan3A_124 = arith.constant 16 : i32
    %scan3A_125 = arith.addi %scan3A_123, %scan3A_124 : i32
    %scan3A_126 = arith.constant 1 : i32
    %scan3A_127 = scf.for %scan3A_178 = %scan3A_123 to %scan3A_125 step %scan3A_126 iter_args(%scan3A_179 = %scan3A) -> (i32)  : i32 {
      %mul3A_180 = arith.constant 16 : i32
      %mul3A_181 = arith.muli %scan3A_178, %mul3A_180 : i32
      %add3A_182 = vector.broadcast %mul3A_181 : i32 to vector<16xi32>
      %add3A_183 = arith.addi %add3A_182, %iota3A : vector<16xi32>
      %broadcast_in_dim3A = arith.constant 0.000000e+00 : f32
      %broadcast_in_dim3A_184 = vector.broadcast %broadcast_in_dim3A : f32 to vector<16xf32>
      %scan3A_185 = arith.constant 0 : i32
      %scan3A_186 = arith.constant 16 : i32
      %scan3A_187 = arith.addi %scan3A_185, %scan3A_186 : i32
      %scan3A_188 = arith.constant 4 : i32
      %scan3A_189:4 = scf.for %scan3A_198 = %scan3A_185 to %scan3A_187 step %scan3A_188 iter_args(%scan3A_199 = %broadcast_in_dim3A_184, %scan3A_200 = %broadcast_in_dim3A_184, %scan3A_201 = %broadcast_in_dim3A_184, %scan3A_202 = %broadcast_in_dim3A_184) -> (vector<16xf32>, vector<16xf32>, vector<16xf32>, vector<16xf32>)  : i32 {
        %mul3A_203 = arith.constant 4 : i32
        %mul3A_204 = arith.muli %scan3A_198, %mul3A_203 : i32
        %add3A_205 = arith.constant 0 : i32
        %add3A_206 = arith.addi %mul3A_204, %add3A_205 : i32
        %add3A_207 = vector.broadcast %add3A_206 : i32 to vector<16xi32>
        %add3A_208 = arith.addi %iota3A, %add3A_207 : vector<16xi32>
        %and3A = arith.constant 63 : i32
        %and3A_209 = vector.broadcast %and3A : i32 to vector<16xi32>
        %and3A_210 = arith.andi %add3A_208, %and3A_209 : vector<16xi32>
        %gather3A = tpu.vector_load_idx %arg9[%add3A_183, %and3A_210] : memref<512x64xf32, #tpu.memory_space<vmem>>[vector<16xi32>, vector<16xi32>], vector<16xf32>,
        %gather3A_211 = tpu.vector_load_idx %arg10[%add3A_183, %and3A_210] : memref<512x64xf32, #tpu.memory_space<vmem>>[vector<16xi32>, vector<16xi32>], vector<16xf32>,
        %mul3A_212 = arith.mulf %gather3A, %gather3A_211 : vector<16xf32>
        %add3A_213 = arith.addf %scan3A_199, %mul3A_212 : vector<16xf32>
        %mul3A_214 = arith.constant 4 : i32
        %mul3A_215 = arith.muli %scan3A_198, %mul3A_214 : i32
        %add3A_216 = arith.constant 1 : i32
        %add3A_217 = arith.addi %mul3A_215, %add3A_216 : i32
        %add3A_218 = vector.broadcast %add3A_217 : i32 to vector<16xi32>
        %add3A_219 = arith.addi %iota3A, %add3A_218 : vector<16xi32>
        %and3A_220 = arith.constant 63 : i32
        %and3A_221 = vector.broadcast %and3A_220 : i32 to vector<16xi32>
        %and3A_222 = arith.andi %add3A_219, %and3A_221 : vector<16xi32>
        %gather3A_223 = tpu.vector_load_idx %arg9[%add3A_183, %and3A_222] : memref<512x64xf32, #tpu.memory_space<vmem>>[vector<16xi32>, vector<16xi32>], vector<16xf32>,
        %gather3A_224 = tpu.vector_load_idx %arg10[%add3A_183, %and3A_222] : memref<512x64xf32, #tpu.memory_space<vmem>>[vector<16xi32>, vector<16xi32>], vector<16xf32>,
        %mul3A_225 = arith.mulf %gather3A_223, %gather3A_224 : vector<16xf32>
        %add3A_226 = arith.addf %scan3A_200, %mul3A_225 : vector<16xf32>
        %mul3A_227 = arith.constant 4 : i32
        %mul3A_228 = arith.muli %scan3A_198, %mul3A_227 : i32
        %add3A_229 = arith.constant 2 : i32
        %add3A_230 = arith.addi %mul3A_228, %add3A_229 : i32
        %add3A_231 = vector.broadcast %add3A_230 : i32 to vector<16xi32>
        %add3A_232 = arith.addi %iota3A, %add3A_231 : vector<16xi32>
        %and3A_233 = arith.constant 63 : i32
        %and3A_234 = vector.broadcast %and3A_233 : i32 to vector<16xi32>
        %and3A_235 = arith.andi %add3A_232, %and3A_234 : vector<16xi32>
        %gather3A_236 = tpu.vector_load_idx %arg9[%add3A_183, %and3A_235] : memref<512x64xf32, #tpu.memory_space<vmem>>[vector<16xi32>, vector<16xi32>], vector<16xf32>,
        %gather3A_237 = tpu.vector_load_idx %arg10[%add3A_183, %and3A_235] : memref<512x64xf32, #tpu.memory_space<vmem>>[vector<16xi32>, vector<16xi32>], vector<16xf32>,
        %mul3A_238 = arith.mulf %gather3A_236, %gather3A_237 : vector<16xf32>
        %add3A_239 = arith.addf %scan3A_201, %mul3A_238 : vector<16xf32>
        %mul3A_240 = arith.constant 4 : i32
        %mul3A_241 = arith.muli %scan3A_198, %mul3A_240 : i32
        %add3A_242 = arith.constant 3 : i32
        %add3A_243 = arith.addi %mul3A_241, %add3A_242 : i32
        %add3A_244 = vector.broadcast %add3A_243 : i32 to vector<16xi32>
        %add3A_245 = arith.addi %iota3A, %add3A_244 : vector<16xi32>
        %and3A_246 = arith.constant 63 : i32
        %and3A_247 = vector.broadcast %and3A_246 : i32 to vector<16xi32>
        %and3A_248 = arith.andi %add3A_245, %and3A_247 : vector<16xi32>
        %gather3A_249 = tpu.vector_load_idx %arg9[%add3A_183, %and3A_248] : memref<512x64xf32, #tpu.memory_space<vmem>>[vector<16xi32>, vector<16xi32>], vector<16xf32>,
        %gather3A_250 = tpu.vector_load_idx %arg10[%add3A_183, %and3A_248] : memref<512x64xf32, #tpu.memory_space<vmem>>[vector<16xi32>, vector<16xi32>], vector<16xf32>,
        %mul3A_251 = arith.mulf %gather3A_249, %gather3A_250 : vector<16xf32>
        %add3A_252 = arith.addf %scan3A_202, %mul3A_251 : vector<16xf32>
        %scan3A_253 = arith.constant 1 : i32
        %scan3A_254 = arith.addi %scan3A_198, %scan3A_253 : i32
        %mul3A_255 = arith.constant 4 : i32
        %mul3A_256 = arith.muli %scan3A_254, %mul3A_255 : i32
        %add3A_257 = arith.constant 0 : i32
        %add3A_258 = arith.addi %mul3A_256, %add3A_257 : i32
        %add3A_259 = vector.broadcast %add3A_258 : i32 to vector<16xi32>
        %add3A_260 = arith.addi %iota3A, %add3A_259 : vector<16xi32>
        %and3A_261 = arith.constant 63 : i32
        %and3A_262 = vector.broadcast %and3A_261 : i32 to vector<16xi32>
        %and3A_263 = arith.andi %add3A_260, %and3A_262 : vector<16xi32>
        %gather3A_264 = tpu.vector_load_idx %arg9[%add3A_183, %and3A_263] : memref<512x64xf32, #tpu.memory_space<vmem>>[vector<16xi32>, vector<16xi32>], vector<16xf32>,
        %gather3A_265 = tpu.vector_load_idx %arg10[%add3A_183, %and3A_263] : memref<512x64xf32, #tpu.memory_space<vmem>>[vector<16xi32>, vector<16xi32>], vector<16xf32>,
        %mul3A_266 = arith.mulf %gather3A_264, %gather3A_265 : vector<16xf32>
        %add3A_267 = arith.addf %add3A_213, %mul3A_266 : vector<16xf32>
        %mul3A_268 = arith.constant 4 : i32
        %mul3A_269 = arith.muli %scan3A_254, %mul3A_268 : i32
        %add3A_270 = arith.constant 1 : i32
        %add3A_271 = arith.addi %mul3A_269, %add3A_270 : i32
        %add3A_272 = vector.broadcast %add3A_271 : i32 to vector<16xi32>
        %add3A_273 = arith.addi %iota3A, %add3A_272 : vector<16xi32>
        %and3A_274 = arith.constant 63 : i32
        %and3A_275 = vector.broadcast %and3A_274 : i32 to vector<16xi32>
        %and3A_276 = arith.andi %add3A_273, %and3A_275 : vector<16xi32>
        %gather3A_277 = tpu.vector_load_idx %arg9[%add3A_183, %and3A_276] : memref<512x64xf32, #tpu.memory_space<vmem>>[vector<16xi32>, vector<16xi32>], vector<16xf32>,
        %gather3A_278 = tpu.vector_load_idx %arg10[%add3A_183, %and3A_276] : memref<512x64xf32, #tpu.memory_space<vmem>>[vector<16xi32>, vector<16xi32>], vector<16xf32>,
        %mul3A_279 = arith.mulf %gather3A_277, %gather3A_278 : vector<16xf32>
        %add3A_280 = arith.addf %add3A_226, %mul3A_279 : vector<16xf32>
        %mul3A_281 = arith.constant 4 : i32
        %mul3A_282 = arith.muli %scan3A_254, %mul3A_281 : i32
        %add3A_283 = arith.constant 2 : i32
        %add3A_284 = arith.addi %mul3A_282, %add3A_283 : i32
        %add3A_285 = vector.broadcast %add3A_284 : i32 to vector<16xi32>
        %add3A_286 = arith.addi %iota3A, %add3A_285 : vector<16xi32>
        %and3A_287 = arith.constant 63 : i32
        %and3A_288 = vector.broadcast %and3A_287 : i32 to vector<16xi32>
        %and3A_289 = arith.andi %add3A_286, %and3A_288 : vector<16xi32>
        %gather3A_290 = tpu.vector_load_idx %arg9[%add3A_183, %and3A_289] : memref<512x64xf32, #tpu.memory_space<vmem>>[vector<16xi32>, vector<16xi32>], vector<16xf32>,
        %gather3A_291 = tpu.vector_load_idx %arg10[%add3A_183, %and3A_289] : memref<512x64xf32, #tpu.memory_space<vmem>>[vector<16xi32>, vector<16xi32>], vector<16xf32>,
        %mul3A_292 = arith.mulf %gather3A_290, %gather3A_291 : vector<16xf32>
        %add3A_293 = arith.addf %add3A_239, %mul3A_292 : vector<16xf32>
        %mul3A_294 = arith.constant 4 : i32
        %mul3A_295 = arith.muli %scan3A_254, %mul3A_294 : i32
        %add3A_296 = arith.constant 3 : i32
        %add3A_297 = arith.addi %mul3A_295, %add3A_296 : i32
        %add3A_298 = vector.broadcast %add3A_297 : i32 to vector<16xi32>
        %add3A_299 = arith.addi %iota3A, %add3A_298 : vector<16xi32>
        %and3A_300 = arith.constant 63 : i32
        %and3A_301 = vector.broadcast %and3A_300 : i32 to vector<16xi32>
        %and3A_302 = arith.andi %add3A_299, %and3A_301 : vector<16xi32>
        %gather3A_303 = tpu.vector_load_idx %arg9[%add3A_183, %and3A_302] : memref<512x64xf32, #tpu.memory_space<vmem>>[vector<16xi32>, vector<16xi32>], vector<16xf32>,
        %gather3A_304 = tpu.vector_load_idx %arg10[%add3A_183, %and3A_302] : memref<512x64xf32, #tpu.memory_space<vmem>>[vector<16xi32>, vector<16xi32>], vector<16xf32>,
        %mul3A_305 = arith.mulf %gather3A_303, %gather3A_304 : vector<16xf32>
        %add3A_306 = arith.addf %add3A_252, %mul3A_305 : vector<16xf32>
        %scan3A_307 = arith.constant 2 : i32
        %scan3A_308 = arith.addi %scan3A_198, %scan3A_307 : i32
        %mul3A_309 = arith.constant 4 : i32
        %mul3A_310 = arith.muli %scan3A_308, %mul3A_309 : i32
        %add3A_311 = arith.constant 0 : i32
        %add3A_312 = arith.addi %mul3A_310, %add3A_311 : i32
        %add3A_313 = vector.broadcast %add3A_312 : i32 to vector<16xi32>
        %add3A_314 = arith.addi %iota3A, %add3A_313 : vector<16xi32>
        %and3A_315 = arith.constant 63 : i32
        %and3A_316 = vector.broadcast %and3A_315 : i32 to vector<16xi32>
        %and3A_317 = arith.andi %add3A_314, %and3A_316 : vector<16xi32>
        %gather3A_318 = tpu.vector_load_idx %arg9[%add3A_183, %and3A_317] : memref<512x64xf32, #tpu.memory_space<vmem>>[vector<16xi32>, vector<16xi32>], vector<16xf32>,
        %gather3A_319 = tpu.vector_load_idx %arg10[%add3A_183, %and3A_317] : memref<512x64xf32, #tpu.memory_space<vmem>>[vector<16xi32>, vector<16xi32>], vector<16xf32>,
        %mul3A_320 = arith.mulf %gather3A_318, %gather3A_319 : vector<16xf32>
        %add3A_321 = arith.addf %add3A_267, %mul3A_320 : vector<16xf32>
        %mul3A_322 = arith.constant 4 : i32
        %mul3A_323 = arith.muli %scan3A_308, %mul3A_322 : i32
        %add3A_324 = arith.constant 1 : i32
        %add3A_325 = arith.addi %mul3A_323, %add3A_324 : i32
        %add3A_326 = vector.broadcast %add3A_325 : i32 to vector<16xi32>
        %add3A_327 = arith.addi %iota3A, %add3A_326 : vector<16xi32>
        %and3A_328 = arith.constant 63 : i32
        %and3A_329 = vector.broadcast %and3A_328 : i32 to vector<16xi32>
        %and3A_330 = arith.andi %add3A_327, %and3A_329 : vector<16xi32>
        %gather3A_331 = tpu.vector_load_idx %arg9[%add3A_183, %and3A_330] : memref<512x64xf32, #tpu.memory_space<vmem>>[vector<16xi32>, vector<16xi32>], vector<16xf32>,
        %gather3A_332 = tpu.vector_load_idx %arg10[%add3A_183, %and3A_330] : memref<512x64xf32, #tpu.memory_space<vmem>>[vector<16xi32>, vector<16xi32>], vector<16xf32>,
        %mul3A_333 = arith.mulf %gather3A_331, %gather3A_332 : vector<16xf32>
        %add3A_334 = arith.addf %add3A_280, %mul3A_333 : vector<16xf32>
        %mul3A_335 = arith.constant 4 : i32
        %mul3A_336 = arith.muli %scan3A_308, %mul3A_335 : i32
        %add3A_337 = arith.constant 2 : i32
        %add3A_338 = arith.addi %mul3A_336, %add3A_337 : i32
        %add3A_339 = vector.broadcast %add3A_338 : i32 to vector<16xi32>
        %add3A_340 = arith.addi %iota3A, %add3A_339 : vector<16xi32>
        %and3A_341 = arith.constant 63 : i32
        %and3A_342 = vector.broadcast %and3A_341 : i32 to vector<16xi32>
        %and3A_343 = arith.andi %add3A_340, %and3A_342 : vector<16xi32>
        %gather3A_344 = tpu.vector_load_idx %arg9[%add3A_183, %and3A_343] : memref<512x64xf32, #tpu.memory_space<vmem>>[vector<16xi32>, vector<16xi32>], vector<16xf32>,
        %gather3A_345 = tpu.vector_load_idx %arg10[%add3A_183, %and3A_343] : memref<512x64xf32, #tpu.memory_space<vmem>>[vector<16xi32>, vector<16xi32>], vector<16xf32>,
        %mul3A_346 = arith.mulf %gather3A_344, %gather3A_345 : vector<16xf32>
        %add3A_347 = arith.addf %add3A_293, %mul3A_346 : vector<16xf32>
        %mul3A_348 = arith.constant 4 : i32
        %mul3A_349 = arith.muli %scan3A_308, %mul3A_348 : i32
        %add3A_350 = arith.constant 3 : i32
        %add3A_351 = arith.addi %mul3A_349, %add3A_350 : i32
        %add3A_352 = vector.broadcast %add3A_351 : i32 to vector<16xi32>
        %add3A_353 = arith.addi %iota3A, %add3A_352 : vector<16xi32>
        %and3A_354 = arith.constant 63 : i32
        %and3A_355 = vector.broadcast %and3A_354 : i32 to vector<16xi32>
        %and3A_356 = arith.andi %add3A_353, %and3A_355 : vector<16xi32>
        %gather3A_357 = tpu.vector_load_idx %arg9[%add3A_183, %and3A_356] : memref<512x64xf32, #tpu.memory_space<vmem>>[vector<16xi32>, vector<16xi32>], vector<16xf32>,
        %gather3A_358 = tpu.vector_load_idx %arg10[%add3A_183, %and3A_356] : memref<512x64xf32, #tpu.memory_space<vmem>>[vector<16xi32>, vector<16xi32>], vector<16xf32>,
        %mul3A_359 = arith.mulf %gather3A_357, %gather3A_358 : vector<16xf32>
        %add3A_360 = arith.addf %add3A_306, %mul3A_359 : vector<16xf32>
        %scan3A_361 = arith.constant 3 : i32
        %scan3A_362 = arith.addi %scan3A_198, %scan3A_361 : i32
        %mul3A_363 = arith.constant 4 : i32
        %mul3A_364 = arith.muli %scan3A_362, %mul3A_363 : i32
        %add3A_365 = arith.constant 0 : i32
        %add3A_366 = arith.addi %mul3A_364, %add3A_365 : i32
        %add3A_367 = vector.broadcast %add3A_366 : i32 to vector<16xi32>
        %add3A_368 = arith.addi %iota3A, %add3A_367 : vector<16xi32>
        %and3A_369 = arith.constant 63 : i32
        %and3A_370 = vector.broadcast %and3A_369 : i32 to vector<16xi32>
        %and3A_371 = arith.andi %add3A_368, %and3A_370 : vector<16xi32>
        %gather3A_372 = tpu.vector_load_idx %arg9[%add3A_183, %and3A_371] : memref<512x64xf32, #tpu.memory_space<vmem>>[vector<16xi32>, vector<16xi32>], vector<16xf32>,
        %gather3A_373 = tpu.vector_load_idx %arg10[%add3A_183, %and3A_371] : memref<512x64xf32, #tpu.memory_space<vmem>>[vector<16xi32>, vector<16xi32>], vector<16xf32>,
        %mul3A_374 = arith.mulf %gather3A_372, %gather3A_373 : vector<16xf32>
        %add3A_375 = arith.addf %add3A_321, %mul3A_374 : vector<16xf32>
        %mul3A_376 = arith.constant 4 : i32
        %mul3A_377 = arith.muli %scan3A_362, %mul3A_376 : i32
        %add3A_378 = arith.constant 1 : i32
        %add3A_379 = arith.addi %mul3A_377, %add3A_378 : i32
        %add3A_380 = vector.broadcast %add3A_379 : i32 to vector<16xi32>
        %add3A_381 = arith.addi %iota3A, %add3A_380 : vector<16xi32>
        %and3A_382 = arith.constant 63 : i32
        %and3A_383 = vector.broadcast %and3A_382 : i32 to vector<16xi32>
        %and3A_384 = arith.andi %add3A_381, %and3A_383 : vector<16xi32>
        %gather3A_385 = tpu.vector_load_idx %arg9[%add3A_183, %and3A_384] : memref<512x64xf32, #tpu.memory_space<vmem>>[vector<16xi32>, vector<16xi32>], vector<16xf32>,
        %gather3A_386 = tpu.vector_load_idx %arg10[%add3A_183, %and3A_384] : memref<512x64xf32, #tpu.memory_space<vmem>>[vector<16xi32>, vector<16xi32>], vector<16xf32>,
        %mul3A_387 = arith.mulf %gather3A_385, %gather3A_386 : vector<16xf32>
        %add3A_388 = arith.addf %add3A_334, %mul3A_387 : vector<16xf32>
        %mul3A_389 = arith.constant 4 : i32
        %mul3A_390 = arith.muli %scan3A_362, %mul3A_389 : i32
        %add3A_391 = arith.constant 2 : i32
        %add3A_392 = arith.addi %mul3A_390, %add3A_391 : i32
        %add3A_393 = vector.broadcast %add3A_392 : i32 to vector<16xi32>
        %add3A_394 = arith.addi %iota3A, %add3A_393 : vector<16xi32>
        %and3A_395 = arith.constant 63 : i32
        %and3A_396 = vector.broadcast %and3A_395 : i32 to vector<16xi32>
        %and3A_397 = arith.andi %add3A_394, %and3A_396 : vector<16xi32>
        %gather3A_398 = tpu.vector_load_idx %arg9[%add3A_183, %and3A_397] : memref<512x64xf32, #tpu.memory_space<vmem>>[vector<16xi32>, vector<16xi32>], vector<16xf32>,
        %gather3A_399 = tpu.vector_load_idx %arg10[%add3A_183, %and3A_397] : memref<512x64xf32, #tpu.memory_space<vmem>>[vector<16xi32>, vector<16xi32>], vector<16xf32>,
        %mul3A_400 = arith.mulf %gather3A_398, %gather3A_399 : vector<16xf32>
        %add3A_401 = arith.addf %add3A_347, %mul3A_400 : vector<16xf32>
        %mul3A_402 = arith.constant 4 : i32
        %mul3A_403 = arith.muli %scan3A_362, %mul3A_402 : i32
        %add3A_404 = arith.constant 3 : i32
        %add3A_405 = arith.addi %mul3A_403, %add3A_404 : i32
        %add3A_406 = vector.broadcast %add3A_405 : i32 to vector<16xi32>
        %add3A_407 = arith.addi %iota3A, %add3A_406 : vector<16xi32>
        %and3A_408 = arith.constant 63 : i32
        %and3A_409 = vector.broadcast %and3A_408 : i32 to vector<16xi32>
        %and3A_410 = arith.andi %add3A_407, %and3A_409 : vector<16xi32>
        %gather3A_411 = tpu.vector_load_idx %arg9[%add3A_183, %and3A_410] : memref<512x64xf32, #tpu.memory_space<vmem>>[vector<16xi32>, vector<16xi32>], vector<16xf32>,
        %gather3A_412 = tpu.vector_load_idx %arg10[%add3A_183, %and3A_410] : memref<512x64xf32, #tpu.memory_space<vmem>>[vector<16xi32>, vector<16xi32>], vector<16xf32>,
        %mul3A_413 = arith.mulf %gather3A_411, %gather3A_412 : vector<16xf32>
        %add3A_414 = arith.addf %add3A_360, %mul3A_413 : vector<16xf32>
        scf.yield %add3A_375, %add3A_388, %add3A_401, %add3A_414 : vector<16xf32>, vector<16xf32>, vector<16xf32>, vector<16xf32>
      }
      %scan3A_190 = arith.constant 16 : i32
      %add3A_191 = arith.addf %scan3A_189#0, %scan3A_189#1 : vector<16xf32>
      %add3A_192 = arith.addf %scan3A_189#2, %scan3A_189#3 : vector<16xf32>
      %add3A_193 = arith.addf %add3A_191, %add3A_192 : vector<16xf32>
      %mul3A_194 = arith.constant 16 : i32
      %mul3A_195 = arith.muli %scan3A_178, %mul3A_194 : i32
      %swap3A = arith.index_cast %mul3A_195 : i32 to index
      %swap3A_196 = tpu.vector_load %arg11[%swap3A] {strides = array<i32>} : memref<512xf32, #tpu.memory_space<vmem>>, vector<16xf32>,
      tpu.vector_store %arg11[%swap3A], %add3A_193 {strides = array<i32>} : memref<512xf32, #tpu.memory_space<vmem>>, vector<16xf32>,
      %scan3A_197 = arith.constant 0 : i32
      scf.yield %scan3A_197 : i32
    }
    %scan3A_128 = arith.constant 16 : i32
    %dma_wait3A_129 = arith.constant 2 : i32
    %dma_wait3A_130 = arith.constant 256 : i32
    %dma_wait3A_131 = arith.constant 0 : i32
    %dma_wait3A_132 = tpu.memref_slice %arg9[%dma_wait3A_130, %dma_wait3A_131] : memref<512x64xf32, #tpu.memory_space<vmem>> -> memref<128x64xf32, #tpu.memory_space<vmem>>
    %dma_wait3A_133 = arith.constant 0 : i32
    %dma_wait3A_134 = tpu.memref_slice %arg7[%dma_wait3A_129, %dma_wait3A_133] : memref<4x128xi32, #tpu.memory_space<vmem>> -> memref<1x128xi32, #tpu.memory_space<vmem>>
    %dma_wait3A_135 = tpu.memref_squeeze %dma_wait3A_134 : memref<1x128xi32, #tpu.memory_space<vmem>> -> memref<128xi32, #tpu.memory_space<vmem>>
    %dma_wait3A_136 = arith.constant 0 : i32
    %dma_wait3A_137 = arith.constant 0 : i32
    %dma_wait3A_138 = tpu.memref_slice %arg12[%dma_wait3A_136, %dma_wait3A_137] : memref<1000x64xf32, #tpu.memory_space<vmem_shared>> -> memref<1000x64xf32, #tpu.memory_space<vmem_shared>>
    tpu.wait_indirect_dma semaphore(%arg15 : memref<!tpu.dma_semaphore, #tpu.memory_space<semaphore_mem>>) src(%dma_wait3A_138 : memref<1000x64xf32, #tpu.memory_space<vmem_shared>>) dst(%dma_wait3A_132 : memref<128x64xf32, #tpu.memory_space<vmem>>)
    %dma_wait3A_139 = arith.constant 2 : i32
    %dma_wait3A_140 = arith.constant 256 : i32
    %dma_wait3A_141 = arith.constant 0 : i32
    %dma_wait3A_142 = tpu.memref_slice %arg10[%dma_wait3A_140, %dma_wait3A_141] : memref<512x64xf32, #tpu.memory_space<vmem>> -> memref<128x64xf32, #tpu.memory_space<vmem>>
    %dma_wait3A_143 = arith.constant 0 : i32
    %dma_wait3A_144 = tpu.memref_slice %arg8[%dma_wait3A_139, %dma_wait3A_143] : memref<4x128xi32, #tpu.memory_space<vmem>> -> memref<1x128xi32, #tpu.memory_space<vmem>>
    %dma_wait3A_145 = tpu.memref_squeeze %dma_wait3A_144 : memref<1x128xi32, #tpu.memory_space<vmem>> -> memref<128xi32, #tpu.memory_space<vmem>>
    %dma_wait3A_146 = arith.constant 0 : i32
    %dma_wait3A_147 = arith.constant 0 : i32
    %dma_wait3A_148 = tpu.memref_slice %arg13[%dma_wait3A_146, %dma_wait3A_147] : memref<1000x64xf32, #tpu.memory_space<vmem_shared>> -> memref<1000x64xf32, #tpu.memory_space<vmem_shared>>
    tpu.wait_indirect_dma semaphore(%arg15 : memref<!tpu.dma_semaphore, #tpu.memory_space<semaphore_mem>>) src(%dma_wait3A_148 : memref<1000x64xf32, #tpu.memory_space<vmem_shared>>) dst(%dma_wait3A_142 : memref<128x64xf32, #tpu.memory_space<vmem>>)
    %dma_wait3A_149 = arith.constant 3 : i32
    %dma_wait3A_150 = arith.constant 384 : i32
    %dma_wait3A_151 = arith.constant 0 : i32
    %dma_wait3A_152 = tpu.memref_slice %arg9[%dma_wait3A_150, %dma_wait3A_151] : memref<512x64xf32, #tpu.memory_space<vmem>> -> memref<128x64xf32, #tpu.memory_space<vmem>>
    %dma_wait3A_153 = arith.constant 0 : i32
    %dma_wait3A_154 = tpu.memref_slice %arg7[%dma_wait3A_149, %dma_wait3A_153] : memref<4x128xi32, #tpu.memory_space<vmem>> -> memref<1x128xi32, #tpu.memory_space<vmem>>
    %dma_wait3A_155 = tpu.memref_squeeze %dma_wait3A_154 : memref<1x128xi32, #tpu.memory_space<vmem>> -> memref<128xi32, #tpu.memory_space<vmem>>
    %dma_wait3A_156 = arith.constant 0 : i32
    %dma_wait3A_157 = arith.constant 0 : i32
    %dma_wait3A_158 = tpu.memref_slice %arg12[%dma_wait3A_156, %dma_wait3A_157] : memref<1000x64xf32, #tpu.memory_space<vmem_shared>> -> memref<1000x64xf32, #tpu.memory_space<vmem_shared>>
    tpu.wait_indirect_dma semaphore(%arg15 : memref<!tpu.dma_semaphore, #tpu.memory_space<semaphore_mem>>) src(%dma_wait3A_158 : memref<1000x64xf32, #tpu.memory_space<vmem_shared>>) dst(%dma_wait3A_152 : memref<128x64xf32, #tpu.memory_space<vmem>>)
    %dma_wait3A_159 = arith.constant 3 : i32
    %dma_wait3A_160 = arith.constant 384 : i32
    %dma_wait3A_161 = arith.constant 0 : i32
    %dma_wait3A_162 = tpu.memref_slice %arg10[%dma_wait3A_160, %dma_wait3A_161] : memref<512x64xf32, #tpu.memory_space<vmem>> -> memref<128x64xf32, #tpu.memory_space<vmem>>
    %dma_wait3A_163 = arith.constant 0 : i32
    %dma_wait3A_164 = tpu.memref_slice %arg8[%dma_wait3A_159, %dma_wait3A_163] : memref<4x128xi32, #tpu.memory_space<vmem>> -> memref<1x128xi32, #tpu.memory_space<vmem>>
    %dma_wait3A_165 = tpu.memref_squeeze %dma_wait3A_164 : memref<1x128xi32, #tpu.memory_space<vmem>> -> memref<128xi32, #tpu.memory_space<vmem>>
    %dma_wait3A_166 = arith.constant 0 : i32
    %dma_wait3A_167 = arith.constant 0 : i32
    %dma_wait3A_168 = tpu.memref_slice %arg13[%dma_wait3A_166, %dma_wait3A_167] : memref<1000x64xf32, #tpu.memory_space<vmem_shared>> -> memref<1000x64xf32, #tpu.memory_space<vmem_shared>>
    tpu.wait_indirect_dma semaphore(%arg15 : memref<!tpu.dma_semaphore, #tpu.memory_space<semaphore_mem>>) src(%dma_wait3A_168 : memref<1000x64xf32, #tpu.memory_space<vmem_shared>>) dst(%dma_wait3A_162 : memref<128x64xf32, #tpu.memory_space<vmem>>)
    %scan3A_169 = arith.constant 0 : i32
    %scan3A_170 = arith.constant 16 : i32
    %scan3A_171 = arith.constant 16 : i32
    %scan3A_172 = arith.addi %scan3A_170, %scan3A_171 : i32
    %scan3A_173 = arith.constant 1 : i32
    %scan3A_174 = scf.for %scan3A_178 = %scan3A_170 to %scan3A_172 step %scan3A_173 iter_args(%scan3A_179 = %scan3A_169) -> (i32)  : i32 {
      %mul3A_180 = arith.constant 16 : i32
      %mul3A_181 = arith.muli %scan3A_178, %mul3A_180 : i32
      %add3A_182 = vector.broadcast %mul3A_181 : i32 to vector<16xi32>
      %add3A_183 = arith.addi %add3A_182, %iota3A : vector<16xi32>
      %broadcast_in_dim3A = arith.constant 0.000000e+00 : f32
      %broadcast_in_dim3A_184 = vector.broadcast %broadcast_in_dim3A : f32 to vector<16xf32>
      %scan3A_185 = arith.constant 0 : i32
      %scan3A_186 = arith.constant 16 : i32
      %scan3A_187 = arith.addi %scan3A_185, %scan3A_186 : i32
      %scan3A_188 = arith.constant 4 : i32
      %scan3A_189:4 = scf.for %scan3A_198 = %scan3A_185 to %scan3A_187 step %scan3A_188 iter_args(%scan3A_199 = %broadcast_in_dim3A_184, %scan3A_200 = %broadcast_in_dim3A_184, %scan3A_201 = %broadcast_in_dim3A_184, %scan3A_202 = %broadcast_in_dim3A_184) -> (vector<16xf32>, vector<16xf32>, vector<16xf32>, vector<16xf32>)  : i32 {
        %mul3A_203 = arith.constant 4 : i32
        %mul3A_204 = arith.muli %scan3A_198, %mul3A_203 : i32
        %add3A_205 = arith.constant 0 : i32
        %add3A_206 = arith.addi %mul3A_204, %add3A_205 : i32
        %add3A_207 = vector.broadcast %add3A_206 : i32 to vector<16xi32>
        %add3A_208 = arith.addi %iota3A, %add3A_207 : vector<16xi32>
        %and3A = arith.constant 63 : i32
        %and3A_209 = vector.broadcast %and3A : i32 to vector<16xi32>
        %and3A_210 = arith.andi %add3A_208, %and3A_209 : vector<16xi32>
        %gather3A = tpu.vector_load_idx %arg9[%add3A_183, %and3A_210] : memref<512x64xf32, #tpu.memory_space<vmem>>[vector<16xi32>, vector<16xi32>], vector<16xf32>,
        %gather3A_211 = tpu.vector_load_idx %arg10[%add3A_183, %and3A_210] : memref<512x64xf32, #tpu.memory_space<vmem>>[vector<16xi32>, vector<16xi32>], vector<16xf32>,
        %mul3A_212 = arith.mulf %gather3A, %gather3A_211 : vector<16xf32>
        %add3A_213 = arith.addf %scan3A_199, %mul3A_212 : vector<16xf32>
        %mul3A_214 = arith.constant 4 : i32
        %mul3A_215 = arith.muli %scan3A_198, %mul3A_214 : i32
        %add3A_216 = arith.constant 1 : i32
        %add3A_217 = arith.addi %mul3A_215, %add3A_216 : i32
        %add3A_218 = vector.broadcast %add3A_217 : i32 to vector<16xi32>
        %add3A_219 = arith.addi %iota3A, %add3A_218 : vector<16xi32>
        %and3A_220 = arith.constant 63 : i32
        %and3A_221 = vector.broadcast %and3A_220 : i32 to vector<16xi32>
        %and3A_222 = arith.andi %add3A_219, %and3A_221 : vector<16xi32>
        %gather3A_223 = tpu.vector_load_idx %arg9[%add3A_183, %and3A_222] : memref<512x64xf32, #tpu.memory_space<vmem>>[vector<16xi32>, vector<16xi32>], vector<16xf32>,
        %gather3A_224 = tpu.vector_load_idx %arg10[%add3A_183, %and3A_222] : memref<512x64xf32, #tpu.memory_space<vmem>>[vector<16xi32>, vector<16xi32>], vector<16xf32>,
        %mul3A_225 = arith.mulf %gather3A_223, %gather3A_224 : vector<16xf32>
        %add3A_226 = arith.addf %scan3A_200, %mul3A_225 : vector<16xf32>
        %mul3A_227 = arith.constant 4 : i32
        %mul3A_228 = arith.muli %scan3A_198, %mul3A_227 : i32
        %add3A_229 = arith.constant 2 : i32
        %add3A_230 = arith.addi %mul3A_228, %add3A_229 : i32
        %add3A_231 = vector.broadcast %add3A_230 : i32 to vector<16xi32>
        %add3A_232 = arith.addi %iota3A, %add3A_231 : vector<16xi32>
        %and3A_233 = arith.constant 63 : i32
        %and3A_234 = vector.broadcast %and3A_233 : i32 to vector<16xi32>
        %and3A_235 = arith.andi %add3A_232, %and3A_234 : vector<16xi32>
        %gather3A_236 = tpu.vector_load_idx %arg9[%add3A_183, %and3A_235] : memref<512x64xf32, #tpu.memory_space<vmem>>[vector<16xi32>, vector<16xi32>], vector<16xf32>,
        %gather3A_237 = tpu.vector_load_idx %arg10[%add3A_183, %and3A_235] : memref<512x64xf32, #tpu.memory_space<vmem>>[vector<16xi32>, vector<16xi32>], vector<16xf32>,
        %mul3A_238 = arith.mulf %gather3A_236, %gather3A_237 : vector<16xf32>
        %add3A_239 = arith.addf %scan3A_201, %mul3A_238 : vector<16xf32>
        %mul3A_240 = arith.constant 4 : i32
        %mul3A_241 = arith.muli %scan3A_198, %mul3A_240 : i32
        %add3A_242 = arith.constant 3 : i32
        %add3A_243 = arith.addi %mul3A_241, %add3A_242 : i32
        %add3A_244 = vector.broadcast %add3A_243 : i32 to vector<16xi32>
        %add3A_245 = arith.addi %iota3A, %add3A_244 : vector<16xi32>
        %and3A_246 = arith.constant 63 : i32
        %and3A_247 = vector.broadcast %and3A_246 : i32 to vector<16xi32>
        %and3A_248 = arith.andi %add3A_245, %and3A_247 : vector<16xi32>
        %gather3A_249 = tpu.vector_load_idx %arg9[%add3A_183, %and3A_248] : memref<512x64xf32, #tpu.memory_space<vmem>>[vector<16xi32>, vector<16xi32>], vector<16xf32>,
        %gather3A_250 = tpu.vector_load_idx %arg10[%add3A_183, %and3A_248] : memref<512x64xf32, #tpu.memory_space<vmem>>[vector<16xi32>, vector<16xi32>], vector<16xf32>,
        %mul3A_251 = arith.mulf %gather3A_249, %gather3A_250 : vector<16xf32>
        %add3A_252 = arith.addf %scan3A_202, %mul3A_251 : vector<16xf32>
        %scan3A_253 = arith.constant 1 : i32
        %scan3A_254 = arith.addi %scan3A_198, %scan3A_253 : i32
        %mul3A_255 = arith.constant 4 : i32
        %mul3A_256 = arith.muli %scan3A_254, %mul3A_255 : i32
        %add3A_257 = arith.constant 0 : i32
        %add3A_258 = arith.addi %mul3A_256, %add3A_257 : i32
        %add3A_259 = vector.broadcast %add3A_258 : i32 to vector<16xi32>
        %add3A_260 = arith.addi %iota3A, %add3A_259 : vector<16xi32>
        %and3A_261 = arith.constant 63 : i32
        %and3A_262 = vector.broadcast %and3A_261 : i32 to vector<16xi32>
        %and3A_263 = arith.andi %add3A_260, %and3A_262 : vector<16xi32>
        %gather3A_264 = tpu.vector_load_idx %arg9[%add3A_183, %and3A_263] : memref<512x64xf32, #tpu.memory_space<vmem>>[vector<16xi32>, vector<16xi32>], vector<16xf32>,
        %gather3A_265 = tpu.vector_load_idx %arg10[%add3A_183, %and3A_263] : memref<512x64xf32, #tpu.memory_space<vmem>>[vector<16xi32>, vector<16xi32>], vector<16xf32>,
        %mul3A_266 = arith.mulf %gather3A_264, %gather3A_265 : vector<16xf32>
        %add3A_267 = arith.addf %add3A_213, %mul3A_266 : vector<16xf32>
        %mul3A_268 = arith.constant 4 : i32
        %mul3A_269 = arith.muli %scan3A_254, %mul3A_268 : i32
        %add3A_270 = arith.constant 1 : i32
        %add3A_271 = arith.addi %mul3A_269, %add3A_270 : i32
        %add3A_272 = vector.broadcast %add3A_271 : i32 to vector<16xi32>
        %add3A_273 = arith.addi %iota3A, %add3A_272 : vector<16xi32>
        %and3A_274 = arith.constant 63 : i32
        %and3A_275 = vector.broadcast %and3A_274 : i32 to vector<16xi32>
        %and3A_276 = arith.andi %add3A_273, %and3A_275 : vector<16xi32>
        %gather3A_277 = tpu.vector_load_idx %arg9[%add3A_183, %and3A_276] : memref<512x64xf32, #tpu.memory_space<vmem>>[vector<16xi32>, vector<16xi32>], vector<16xf32>,
        %gather3A_278 = tpu.vector_load_idx %arg10[%add3A_183, %and3A_276] : memref<512x64xf32, #tpu.memory_space<vmem>>[vector<16xi32>, vector<16xi32>], vector<16xf32>,
        %mul3A_279 = arith.mulf %gather3A_277, %gather3A_278 : vector<16xf32>
        %add3A_280 = arith.addf %add3A_226, %mul3A_279 : vector<16xf32>
        %mul3A_281 = arith.constant 4 : i32
        %mul3A_282 = arith.muli %scan3A_254, %mul3A_281 : i32
        %add3A_283 = arith.constant 2 : i32
        %add3A_284 = arith.addi %mul3A_282, %add3A_283 : i32
        %add3A_285 = vector.broadcast %add3A_284 : i32 to vector<16xi32>
        %add3A_286 = arith.addi %iota3A, %add3A_285 : vector<16xi32>
        %and3A_287 = arith.constant 63 : i32
        %and3A_288 = vector.broadcast %and3A_287 : i32 to vector<16xi32>
        %and3A_289 = arith.andi %add3A_286, %and3A_288 : vector<16xi32>
        %gather3A_290 = tpu.vector_load_idx %arg9[%add3A_183, %and3A_289] : memref<512x64xf32, #tpu.memory_space<vmem>>[vector<16xi32>, vector<16xi32>], vector<16xf32>,
        %gather3A_291 = tpu.vector_load_idx %arg10[%add3A_183, %and3A_289] : memref<512x64xf32, #tpu.memory_space<vmem>>[vector<16xi32>, vector<16xi32>], vector<16xf32>,
        %mul3A_292 = arith.mulf %gather3A_290, %gather3A_291 : vector<16xf32>
        %add3A_293 = arith.addf %add3A_239, %mul3A_292 : vector<16xf32>
        %mul3A_294 = arith.constant 4 : i32
        %mul3A_295 = arith.muli %scan3A_254, %mul3A_294 : i32
        %add3A_296 = arith.constant 3 : i32
        %add3A_297 = arith.addi %mul3A_295, %add3A_296 : i32
        %add3A_298 = vector.broadcast %add3A_297 : i32 to vector<16xi32>
        %add3A_299 = arith.addi %iota3A, %add3A_298 : vector<16xi32>
        %and3A_300 = arith.constant 63 : i32
        %and3A_301 = vector.broadcast %and3A_300 : i32 to vector<16xi32>
        %and3A_302 = arith.andi %add3A_299, %and3A_301 : vector<16xi32>
        %gather3A_303 = tpu.vector_load_idx %arg9[%add3A_183, %and3A_302] : memref<512x64xf32, #tpu.memory_space<vmem>>[vector<16xi32>, vector<16xi32>], vector<16xf32>,
        %gather3A_304 = tpu.vector_load_idx %arg10[%add3A_183, %and3A_302] : memref<512x64xf32, #tpu.memory_space<vmem>>[vector<16xi32>, vector<16xi32>], vector<16xf32>,
        %mul3A_305 = arith.mulf %gather3A_303, %gather3A_304 : vector<16xf32>
        %add3A_306 = arith.addf %add3A_252, %mul3A_305 : vector<16xf32>
        %scan3A_307 = arith.constant 2 : i32
        %scan3A_308 = arith.addi %scan3A_198, %scan3A_307 : i32
        %mul3A_309 = arith.constant 4 : i32
        %mul3A_310 = arith.muli %scan3A_308, %mul3A_309 : i32
        %add3A_311 = arith.constant 0 : i32
        %add3A_312 = arith.addi %mul3A_310, %add3A_311 : i32
        %add3A_313 = vector.broadcast %add3A_312 : i32 to vector<16xi32>
        %add3A_314 = arith.addi %iota3A, %add3A_313 : vector<16xi32>
        %and3A_315 = arith.constant 63 : i32
        %and3A_316 = vector.broadcast %and3A_315 : i32 to vector<16xi32>
        %and3A_317 = arith.andi %add3A_314, %and3A_316 : vector<16xi32>
        %gather3A_318 = tpu.vector_load_idx %arg9[%add3A_183, %and3A_317] : memref<512x64xf32, #tpu.memory_space<vmem>>[vector<16xi32>, vector<16xi32>], vector<16xf32>,
        %gather3A_319 = tpu.vector_load_idx %arg10[%add3A_183, %and3A_317] : memref<512x64xf32, #tpu.memory_space<vmem>>[vector<16xi32>, vector<16xi32>], vector<16xf32>,
        %mul3A_320 = arith.mulf %gather3A_318, %gather3A_319 : vector<16xf32>
        %add3A_321 = arith.addf %add3A_267, %mul3A_320 : vector<16xf32>
        %mul3A_322 = arith.constant 4 : i32
        %mul3A_323 = arith.muli %scan3A_308, %mul3A_322 : i32
        %add3A_324 = arith.constant 1 : i32
        %add3A_325 = arith.addi %mul3A_323, %add3A_324 : i32
        %add3A_326 = vector.broadcast %add3A_325 : i32 to vector<16xi32>
        %add3A_327 = arith.addi %iota3A, %add3A_326 : vector<16xi32>
        %and3A_328 = arith.constant 63 : i32
        %and3A_329 = vector.broadcast %and3A_328 : i32 to vector<16xi32>
        %and3A_330 = arith.andi %add3A_327, %and3A_329 : vector<16xi32>
        %gather3A_331 = tpu.vector_load_idx %arg9[%add3A_183, %and3A_330] : memref<512x64xf32, #tpu.memory_space<vmem>>[vector<16xi32>, vector<16xi32>], vector<16xf32>,
        %gather3A_332 = tpu.vector_load_idx %arg10[%add3A_183, %and3A_330] : memref<512x64xf32, #tpu.memory_space<vmem>>[vector<16xi32>, vector<16xi32>], vector<16xf32>,
        %mul3A_333 = arith.mulf %gather3A_331, %gather3A_332 : vector<16xf32>
        %add3A_334 = arith.addf %add3A_280, %mul3A_333 : vector<16xf32>
        %mul3A_335 = arith.constant 4 : i32
        %mul3A_336 = arith.muli %scan3A_308, %mul3A_335 : i32
        %add3A_337 = arith.constant 2 : i32
        %add3A_338 = arith.addi %mul3A_336, %add3A_337 : i32
        %add3A_339 = vector.broadcast %add3A_338 : i32 to vector<16xi32>
        %add3A_340 = arith.addi %iota3A, %add3A_339 : vector<16xi32>
        %and3A_341 = arith.constant 63 : i32
        %and3A_342 = vector.broadcast %and3A_341 : i32 to vector<16xi32>
        %and3A_343 = arith.andi %add3A_340, %and3A_342 : vector<16xi32>
        %gather3A_344 = tpu.vector_load_idx %arg9[%add3A_183, %and3A_343] : memref<512x64xf32, #tpu.memory_space<vmem>>[vector<16xi32>, vector<16xi32>], vector<16xf32>,
        %gather3A_345 = tpu.vector_load_idx %arg10[%add3A_183, %and3A_343] : memref<512x64xf32, #tpu.memory_space<vmem>>[vector<16xi32>, vector<16xi32>], vector<16xf32>,
        %mul3A_346 = arith.mulf %gather3A_344, %gather3A_345 : vector<16xf32>
        %add3A_347 = arith.addf %add3A_293, %mul3A_346 : vector<16xf32>
        %mul3A_348 = arith.constant 4 : i32
        %mul3A_349 = arith.muli %scan3A_308, %mul3A_348 : i32
        %add3A_350 = arith.constant 3 : i32
        %add3A_351 = arith.addi %mul3A_349, %add3A_350 : i32
        %add3A_352 = vector.broadcast %add3A_351 : i32 to vector<16xi32>
        %add3A_353 = arith.addi %iota3A, %add3A_352 : vector<16xi32>
        %and3A_354 = arith.constant 63 : i32
        %and3A_355 = vector.broadcast %and3A_354 : i32 to vector<16xi32>
        %and3A_356 = arith.andi %add3A_353, %and3A_355 : vector<16xi32>
        %gather3A_357 = tpu.vector_load_idx %arg9[%add3A_183, %and3A_356] : memref<512x64xf32, #tpu.memory_space<vmem>>[vector<16xi32>, vector<16xi32>], vector<16xf32>,
        %gather3A_358 = tpu.vector_load_idx %arg10[%add3A_183, %and3A_356] : memref<512x64xf32, #tpu.memory_space<vmem>>[vector<16xi32>, vector<16xi32>], vector<16xf32>,
        %mul3A_359 = arith.mulf %gather3A_357, %gather3A_358 : vector<16xf32>
        %add3A_360 = arith.addf %add3A_306, %mul3A_359 : vector<16xf32>
        %scan3A_361 = arith.constant 3 : i32
        %scan3A_362 = arith.addi %scan3A_198, %scan3A_361 : i32
        %mul3A_363 = arith.constant 4 : i32
        %mul3A_364 = arith.muli %scan3A_362, %mul3A_363 : i32
        %add3A_365 = arith.constant 0 : i32
        %add3A_366 = arith.addi %mul3A_364, %add3A_365 : i32
        %add3A_367 = vector.broadcast %add3A_366 : i32 to vector<16xi32>
        %add3A_368 = arith.addi %iota3A, %add3A_367 : vector<16xi32>
        %and3A_369 = arith.constant 63 : i32
        %and3A_370 = vector.broadcast %and3A_369 : i32 to vector<16xi32>
        %and3A_371 = arith.andi %add3A_368, %and3A_370 : vector<16xi32>
        %gather3A_372 = tpu.vector_load_idx %arg9[%add3A_183, %and3A_371] : memref<512x64xf32, #tpu.memory_space<vmem>>[vector<16xi32>, vector<16xi32>], vector<16xf32>,
        %gather3A_373 = tpu.vector_load_idx %arg10[%add3A_183, %and3A_371] : memref<512x64xf32, #tpu.memory_space<vmem>>[vector<16xi32>, vector<16xi32>], vector<16xf32>,
        %mul3A_374 = arith.mulf %gather3A_372, %gather3A_373 : vector<16xf32>
        %add3A_375 = arith.addf %add3A_321, %mul3A_374 : vector<16xf32>
        %mul3A_376 = arith.constant 4 : i32
        %mul3A_377 = arith.muli %scan3A_362, %mul3A_376 : i32
        %add3A_378 = arith.constant 1 : i32
        %add3A_379 = arith.addi %mul3A_377, %add3A_378 : i32
        %add3A_380 = vector.broadcast %add3A_379 : i32 to vector<16xi32>
        %add3A_381 = arith.addi %iota3A, %add3A_380 : vector<16xi32>
        %and3A_382 = arith.constant 63 : i32
        %and3A_383 = vector.broadcast %and3A_382 : i32 to vector<16xi32>
        %and3A_384 = arith.andi %add3A_381, %and3A_383 : vector<16xi32>
        %gather3A_385 = tpu.vector_load_idx %arg9[%add3A_183, %and3A_384] : memref<512x64xf32, #tpu.memory_space<vmem>>[vector<16xi32>, vector<16xi32>], vector<16xf32>,
        %gather3A_386 = tpu.vector_load_idx %arg10[%add3A_183, %and3A_384] : memref<512x64xf32, #tpu.memory_space<vmem>>[vector<16xi32>, vector<16xi32>], vector<16xf32>,
        %mul3A_387 = arith.mulf %gather3A_385, %gather3A_386 : vector<16xf32>
        %add3A_388 = arith.addf %add3A_334, %mul3A_387 : vector<16xf32>
        %mul3A_389 = arith.constant 4 : i32
        %mul3A_390 = arith.muli %scan3A_362, %mul3A_389 : i32
        %add3A_391 = arith.constant 2 : i32
        %add3A_392 = arith.addi %mul3A_390, %add3A_391 : i32
        %add3A_393 = vector.broadcast %add3A_392 : i32 to vector<16xi32>
        %add3A_394 = arith.addi %iota3A, %add3A_393 : vector<16xi32>
        %and3A_395 = arith.constant 63 : i32
        %and3A_396 = vector.broadcast %and3A_395 : i32 to vector<16xi32>
        %and3A_397 = arith.andi %add3A_394, %and3A_396 : vector<16xi32>
        %gather3A_398 = tpu.vector_load_idx %arg9[%add3A_183, %and3A_397] : memref<512x64xf32, #tpu.memory_space<vmem>>[vector<16xi32>, vector<16xi32>], vector<16xf32>,
        %gather3A_399 = tpu.vector_load_idx %arg10[%add3A_183, %and3A_397] : memref<512x64xf32, #tpu.memory_space<vmem>>[vector<16xi32>, vector<16xi32>], vector<16xf32>,
        %mul3A_400 = arith.mulf %gather3A_398, %gather3A_399 : vector<16xf32>
        %add3A_401 = arith.addf %add3A_347, %mul3A_400 : vector<16xf32>
        %mul3A_402 = arith.constant 4 : i32
        %mul3A_403 = arith.muli %scan3A_362, %mul3A_402 : i32
        %add3A_404 = arith.constant 3 : i32
        %add3A_405 = arith.addi %mul3A_403, %add3A_404 : i32
        %add3A_406 = vector.broadcast %add3A_405 : i32 to vector<16xi32>
        %add3A_407 = arith.addi %iota3A, %add3A_406 : vector<16xi32>
        %and3A_408 = arith.constant 63 : i32
        %and3A_409 = vector.broadcast %and3A_408 : i32 to vector<16xi32>
        %and3A_410 = arith.andi %add3A_407, %and3A_409 : vector<16xi32>
        %gather3A_411 = tpu.vector_load_idx %arg9[%add3A_183, %and3A_410] : memref<512x64xf32, #tpu.memory_space<vmem>>[vector<16xi32>, vector<16xi32>], vector<16xf32>,
        %gather3A_412 = tpu.vector_load_idx %arg10[%add3A_183, %and3A_410] : memref<512x64xf32, #tpu.memory_space<vmem>>[vector<16xi32>, vector<16xi32>], vector<16xf32>,
        %mul3A_413 = arith.mulf %gather3A_411, %gather3A_412 : vector<16xf32>
        %add3A_414 = arith.addf %add3A_360, %mul3A_413 : vector<16xf32>
        scf.yield %add3A_375, %add3A_388, %add3A_401, %add3A_414 : vector<16xf32>, vector<16xf32>, vector<16xf32>, vector<16xf32>
      }
      %scan3A_190 = arith.constant 16 : i32
      %add3A_191 = arith.addf %scan3A_189#0, %scan3A_189#1 : vector<16xf32>
      %add3A_192 = arith.addf %scan3A_189#2, %scan3A_189#3 : vector<16xf32>
      %add3A_193 = arith.addf %add3A_191, %add3A_192 : vector<16xf32>
      %mul3A_194 = arith.constant 16 : i32
      %mul3A_195 = arith.muli %scan3A_178, %mul3A_194 : i32
      %swap3A = arith.index_cast %mul3A_195 : i32 to index
      %swap3A_196 = tpu.vector_load %arg11[%swap3A] {strides = array<i32>} : memref<512xf32, #tpu.memory_space<vmem>>, vector<16xf32>,
      tpu.vector_store %arg11[%swap3A], %add3A_193 {strides = array<i32>} : memref<512xf32, #tpu.memory_space<vmem>>, vector<16xf32>,
      %scan3A_197 = arith.constant 0 : i32
      scf.yield %scan3A_197 : i32
    }
    %scan3A_175 = arith.constant 16 : i32
    %mul3A_176 = arith.constant 512 : i32
    %mul3A_177 = arith.muli %add3A, %mul3A_176 : i32
    "tpu.region"() ({
      %run_scoped3A = tpu.sem_alloc : memref<!tpu.dma_semaphore, #tpu.memory_space<semaphore_mem>>
      %dma_start3A_178 = tpu.memref_slice %arg6[%mul3A_177] : memref<16384xf32, #tpu.memory_space<hbm>> -> memref<512xf32, #tpu.memory_space<hbm>>
      %dma_start3A_179 = tpu.memref_slice %arg6[%mul3A_177] : memref<16384xf32, #tpu.memory_space<hbm>> -> memref<512xf32, #tpu.memory_space<hbm>>
      tpu.enqueue_dma source(%arg11 : memref<512xf32, #tpu.memory_space<vmem>>) target(%dma_start3A_179 : memref<512xf32, #tpu.memory_space<hbm>>) target_semaphore(%run_scoped3A : memref<!tpu.dma_semaphore, #tpu.memory_space<semaphore_mem>>)
      %dma_wait3A_180 = tpu.memref_slice %arg6[%mul3A_177] : memref<16384xf32, #tpu.memory_space<hbm>> -> memref<512xf32, #tpu.memory_space<hbm>>
      %dma_wait3A_181 = tpu.memref_slice %arg6[%mul3A_177] : memref<16384xf32, #tpu.memory_space<hbm>> -> memref<512xf32, #tpu.memory_space<hbm>>
      tpu.wait_dma2 semaphore(%run_scoped3A : memref<!tpu.dma_semaphore, #tpu.memory_space<semaphore_mem>>) src(%arg11 : memref<512xf32, #tpu.memory_space<vmem>>) dst(%dma_wait3A_181 : memref<512xf32, #tpu.memory_space<hbm>>)
      tpu.yield
    }) : () -> ()
    return
  }
}

</mosaic_0001>

<sc_bundles>
// kernel: kernel.3.cloned.1.call-start
scs
__scs_entry_jumppad:
0x0: {  	(pc) =	sbr.rel $0x88, $3  }
0x1: {  	(tag) =	ssettag $0x0;
	lr =	simm.s32 $0x1  }
0x2: {  	[smem:$0x3F9D] =	sst lr;
	_ =	strace $0xD0000000  }
0x3: {  	_ = 	snop  }
0x4: {  	_ = 	snop  }
0x5: {  	_ = 	snop  }
0x6: {  	_ = 	snop  }
0x7: {  	_ = 	snop  }
__scs_overlays_trampoline_lowered:
0x8: {  	[smem:$0x3FAC] =	sst s0  }
0x9: {  	[smem:$0x3FAD] =	sst s1  }
0xa: {  	[smem:$0x3FAE] =	sst s2  }
0xb: {  	[smem:$0x3FAF] =	sst s3  }
0xc: {  	[smem:$0x3FB0] =	sst s4  }
0xd: {  	[smem:$0x3FB1] =	sst s5  }
0xe: {  	[smem:$0x3FB2] =	sst s6  }
0xf: {  	[smem:$0x3FB3] =	sst s7  }
0x10: {  	[smem:$0x3FB4] =	sst s8  }
0x11: {  	[smem:$0x3FB5] =	sst s9;
	s0 =	simm.s32 @!p0 $0x0  }
0x12: {  	s1 =	sld [smem:$0x3F9B];
	s0 =	simm.s32 @p0 $0x1  }
0x13: {  	[smem:$0x3FB6] =	sst s0;
	s0 =	simm.s32 @!p1 $0x0  }
0x14: {  	s2 =	sld [smem:$0x3F9A];
	s0 =	simm.s32 @p1 $0x1  }
0x15: {  	[smem:$0x3FB7] =	sst s0;
	s0 =	simm.s32 @!p2 $0x0  }
0x16: {  	s3 =	sld [smem:$0x3FDB];
	s0 =	simm.s32 @p2 $0x1  }
0x17: {  	s4 =	simm.s32 $0x1BF5;
	[smem:$0x3FB9] =	sst s0  }
0x18: {  	s0 =	sld [smem:$0x3F9C];
	_ =	swait.ge [sflag:s4], $0x0  }
0x19: {  	s7 =	sld [smem:$0x3F9D]  }
0x1a: {  	s8 =	sadd.s32 $0xFFFFE003, lr  }
0x1b: {  	s9 =	sadd.s32 $0xFFFFFEF7, lr;
	s5 =	simm.s32 $0xFFFFFFFF;
	p2 =	slt.u32 s8, $0xFFFFF086  }
0x1c: {  	p1 =	slt.u32 s9, $0xF7A;
	s5 =	simm.s32 @!p2 $0x0  }
0x1d: {  	s5 =	simm.s32 @p1 $0x1;
	p0 =	seq.s32 s7, s2  }
0x1e: {  	s7 =	smul.u32 @!p0 $0xF7A, s2;
	p2 =	seq.s32 @!p0 s5, $0x0  }
0x1f: {  	s9 =	smul.u32 $0xF7A, s1;
	s8 =	simm.s32 @!p0 $0x1BF5;
	p2 =	por !p2, p0  }
0x20: {  	[sflag:s8] =	ssyncset.s32 @!p0 $0xFFFFF086;
	s6 =	sadd.s32 @!p0 s3, s7;
	s7 =	simm.s32 @!p0 $0x108  }
0x21: {  	s3 =	sadd.s32 s3, s9;
	s6 =	sadd.s32 @!p0 $0x88, s6;
	s7 =	simm.s32 @p2 $0x1082  }
0x22: {  	[simem:s7], [sflag:s8] =	dma.local @!p0 [hbm:s6], $0xF7A  }
0x23: {  	s9 =	sor.u32 $0xD0000000, s2;
	s6 =	simm.s32 $0x108;
	_ =	swait.ge @!p0 [sflag:s8], $0x0  }
0x24: {  	s3 =	sadd.s32 $0x88, s3;
	s6 =	simm.s32 @!p1 $0x1082;
	[sflag:s4] =	ssyncset.s32 $0xFFFFF086  }
0x25: {  	[simem:s6], [sflag:s4] =	dma.local [hbm:s3], $0xF7A  }
0x26: {  	[smem:$0x3F9D] =	sst s1;
	(tag) =	ssettag s2;
	_ =	strace s9  }
0x27: {  	s1 =	sld [smem:$0x3FAD]  }
0x28: {  	s2 =	sld [smem:$0x3FAE]  }
0x29: {  	s4 =	sld [smem:$0x3FB0]  }
0x2a: {  	p0 =	seq.s32 s5, $0x0;
	s5 =	sld [smem:$0x3FB1]  }
0x2b: {  	s6 =	sld [smem:$0x3FB2]  }
0x2c: {  	s7 =	sld [smem:$0x3FB3]  }
0x2d: {  	s3 =	simm.s32 $0x108;
	s8 =	sld [smem:$0x3FB4]  }
0x2e: {  	s3 =	simm.s32 @!p0 $0x1082;
	s9 =	sld [smem:$0x3FB5]  }
0x2f: {  	lr =	sadd.s32 s0, s3;
	s0 =	sld [smem:$0x3FAC]  }
0x30: {  	s3 =	sld [smem:$0x3FAF]  }
0x31: {  	[smem:$0x3FB8] =	sst s10  }
0x32: {  	s10 =	sld [smem:$0x3FB6];
	_ =	sdelay $0x3  }
0x33: {  	p0 =	seq.s32 s10, $0x1;
	s10 =	sld [smem:$0x3FB8];
	_ =	sdelay $0x3  }
0x34: {  	[smem:$0x3FB8] =	sst s10  }
0x35: {  	s10 =	sld [smem:$0x3FB7];
	_ =	sdelay $0x3  }
0x36: {  	p1 =	seq.s32 s10, $0x1;
	s10 =	sld [smem:$0x3FB8];
	_ =	sdelay $0x3  }
0x37: {  	[smem:$0x3FB8] =	sst s10  }
0x38: {  	s10 =	sld [smem:$0x3FB9]  }
0x39: {  	_ = 	snop;
	(pc) =	sbr.ind lr, $3  }
0x3a: {  	_ = 	snop  }
0x3b: {  	_ = 	snop  }
0x3c: {  	p2 =	seq.s32 s10, $0x1;
	s10 =	sld [smem:$0x3FB8]  }
0x3d: {  	_ =	shalt  }
0x3e: {  	_ =	shalt  }
0x3f: {  	_ =	shalt  }
0x40: {  	_ =	shalt  }
0x41: {  	_ =	shalt  }
0x42: {  	_ =	shalt  }
0x43: {  	_ =	shalt  }
0x44: {  	_ =	shalt  }
0x45: {  	_ =	shalt  }
0x46: {  	_ =	shalt  }
0x47: {  	_ =	shalt  }
0x48: {  	_ =	shalt  }
0x49: {  	_ =	shalt  }
0x4a: {  	_ =	shalt  }
0x4b: {  	_ =	shalt  }
0x4c: {  	_ =	shalt  }
0x4d: {  	_ =	shalt  }
0x4e: {  	_ =	shalt  }
0x4f: {  	_ =	shalt  }
0x50: {  	_ =	shalt  }
0x51: {  	_ =	shalt  }
0x52: {  	_ =	shalt  }
0x53: {  	_ =	shalt  }
0x54: {  	_ =	shalt  }
0x55: {  	_ =	shalt  }
0x56: {  	_ =	shalt  }
0x57: {  	_ =	shalt  }
0x58: {  	_ =	shalt  }
0x59: {  	_ =	shalt  }
0x5a: {  	_ =	shalt  }
0x5b: {  	_ =	shalt  }
0x5c: {  	_ =	shalt  }
0x5d: {  	_ =	shalt  }
0x5e: {  	_ =	shalt  }
0x5f: {  	_ =	shalt  }
0x60: {  	_ =	shalt  }
0x61: {  	_ =	shalt  }
0x62: {  	_ =	shalt  }
0x63: {  	_ =	shalt  }
0x64: {  	_ =	shalt  }
0x65: {  	_ =	shalt  }
0x66: {  	_ =	shalt  }
0x67: {  	_ =	shalt  }
0x68: {  	_ =	shalt  }
0x69: {  	_ =	shalt  }
0x6a: {  	_ =	shalt  }
0x6b: {  	_ =	shalt  }
0x6c: {  	_ =	shalt  }
0x6d: {  	_ =	shalt  }
0x6e: {  	_ =	shalt  }
0x6f: {  	_ =	shalt  }
0x70: {  	_ =	shalt  }
0x71: {  	_ =	shalt  }
0x72: {  	_ =	shalt  }
0x73: {  	_ =	shalt  }
0x74: {  	_ =	shalt  }
0x75: {  	_ =	shalt  }
0x76: {  	_ =	shalt  }
0x77: {  	_ =	shalt  }
0x78: {  	_ =	shalt  }
0x79: {  	_ =	shalt  }
0x7a: {  	_ =	shalt  }
0x7b: {  	_ =	shalt  }
0x7c: {  	_ =	shalt  }
0x7d: {  	_ =	shalt  }
0x7e: {  	_ =	shalt  }
0x7f: {  	_ =	shalt  }
0x80: {  	_ =	shalt  }
0x81: {  	_ =	shalt  }
0x82: {  	_ =	shalt  }
0x83: {  	_ =	shalt  }
0x84: {  	_ =	shalt  }
0x85: {  	_ =	shalt  }
0x86: {  	_ =	shalt  }
0x87: {  	_ =	shalt  }
.Lfunc_end0:
.L_simem_size_0:
called_computation_lowered:
.L_overlay_start_0:
0x88: {  	s2 =	sld [smem:$0x3FD9]  }
0x89: {  	s3 =	sld [smem:$0x3FFE];
	_ =	sdelay $0x1  }
0x8a: {  	s1 =	srdreg.scid  }
0x8b: {  	s0 =	sand.u32 $0x1, s1  }
0x8c: {  	s17 =	sshll.u32 s0, $0xA;
	s2 =	sadd.s32 s3, s2  }
0x8d: {  	s2 =	sadd.s32 s2, s17  }
0x8e: {  	[smem:$0x3FC4] =	sst s2  }
0x8f: {  	_ = 	snop  }
0x90: {  	s2 =	sld [smem:$0x3FC9]  }
0x91: {  	s18 =	sld [smem:$0x3FC8]  }
0x92: {  	s4 =	sld [smem:$0x3FD0];
	(tm) =	ssettm $0x1  }
0x93: {  	s5 =	sld [smem:$0x3FFB];
	_ =	sdelay $0x3  }
0x94: {  	_ =	strace s5  }
0x95: {  	s5 =	sld [smem:$0x3FFC];
	_ =	sdelay $0x3  }
0x96: {  	_ =	strace s5  }
0x97: {  	s5 =	sld [smem:$0x3FFD];
	_ =	sdelay $0x3  }
0x98: {  	_ =	strace s5  }
0x99: {  	_ =	strace $0x8FFFFFFF  }
0x9a: {  	s19 =	sld [smem:$0x3FDB];
	_ =	sdelay $0x1  }
0x9b: {  	s6 =	simm.s32 $_scs_section_size  }
0x9c: {  	s7 =	simm.s32 $_size__tile_overlayer_lowered;
	s8 =	simm.s32 $_tile_overlayer_lowered  }
0x9d: {  	s22 =	simm.s32 $0x1BFF;
	s21 =	sshll.u32 s8, $0x1;
	s5 =	sadd.s32 s6, s19  }
0x9e: {  	s9 =	simm.s32 $0x0;
	s20 =	sshll.u32 s7, $0x1;
	s7 =	sadd.s32 s21, s5  }
0x9f: {  	[timem:s9], [sflag:s22] =	dma.local [hbm:s7], s20  }
0xa0: {  	_ =	swait.ge [sflag:s22], s20  }
0xa1: {  	s6 =	ssub.s32 $0x0, s20;
	[sflag:s22] =	ssyncset.done $0x0  }
0xa2: {  	[sflag:s22] =	ssyncadd.s32 s6;
	_ =	sdelay $0x1  }
0xa3: {  	s23 =	simm.s32 $0x1B8B  }
0xa4: {  	_ =	swait.ge [sflag:s23], $0x1  }
0xa5: {  	[sflag:s23] =	ssyncset.done $0x0  }
0xa6: {  	s25 =	simm.s32 $0x1B8E;
	s24 =	sld [smem:$0x3FFE];
	[sflag:s23] =	ssyncadd.s32 $0xFFFFFFFF  }
0xa7: {  	s26 =	simm.s32 $execute0_lowered;
	[smem:$0x3FD2] =	sst s25  }
0xa8: {  	s7 =	sshll.u32 s26, $0x1;
	_ =	strace $0x80000046;
	[dreg:$0x1] =	wrdreg $0xFFFFFFFF  }
0xa9: {  	s28 =	simm.s32 $_size_execute0_lowered;
	s5 =	sadd.s32 s5, s7;
	[dreg:$0x0] =	wrdreg $0x0  }
0xaa: {  	s7 =	sshll.u32 s28, $0x1;
	[dreg:$0x2] =	wrdreg s5  }
0xab: {  	[dreg:$0x3] =	wrdreg s7  }
0xac: {  	[dreg:$0x4] =	wrdreg $0xC0  }
0xad: {  	_ =	task [dreg:s9], $0x5FFFF  }
0xae: {  	[dreg:$0x1] =	wrdreg $0xFFFFFFFF  }
0xaf: {  	[dreg:$0x0] =	wrdreg $0x60  }
0xb0: {  	[dreg:$0x2] =	wrdreg s2  }
0xb1: {  	[dreg:$0x3] =	wrdreg s18  }
0xb2: {  	[dreg:$0x4] =	wrdreg s24  }
0xb3: {  	[dreg:$0x5] =	wrdreg s4  }
0xb4: {  	[dreg:$0x6] =	wrdreg $0x106000  }
0xb5: {  	[dreg:$0x7] =	wrdreg $0x115A00  }
0xb6: {  	[dreg:$0x8] =	wrdreg $0x9  }
0xb7: {  	_ =	task.clear_ibuf [dreg:s9], $0x9FFFF;
	_ =	strace $0x90000046  }
0xb8: {  	s29 =	simm.s32 $0x9;
	_ =	strace $0x80000048  }
0xb9: {  	_ =	swait.ge [sflag:s29], $0x1  }
0xba: {  	[sflag:s29] =	ssyncadd.s32 $0xFFFFFFFF  }
0xbb: {  	_ =	strace $0x90000048  }
0xbc: {  	_ =	sfence  }
0xbd: {  	s30 =	sld [smem:$0x0];
	_ =	sdelay $0x2  }
0xbe: {  	s31 =	sshll.u32 s1, $0xD;
	s1 =	sshrl.u32 s1, $0x2  }
0xbf: {  	s3 =	sand.u32 $0x4000, s31;
	s1 =	sadd.s32 s1, s30  }
0xc0: {  	s0 =	sor.u32 s3, s0;
	s1 =	sshll.u32 s1, $0x11  }
0xc1: {  	s0 =	sor.u32 s1, s0  }
0xc2: {  	s0 =	sadd.s32 $0x8F2B, s0  }
0xc3: {  	[sflag:s0] =	ssyncadd.remote.s32 $0x1  }
0xc4: {  	_ =	sfence.sel $0xFFFF  }
0xc5: {  	[dreg:$0x0] =	wrdreg $0xFFFFFFFF;
	(pc) =	sbr.abs _section_cstart, $3  }
0xc6: {  	[dreg:$0x1] =	wrdreg $0xFFFFFFFF  }
0xc7: {  	_ =	task.clear_ibuf [dreg:s9], $0x2FFFF;
	_ =	strace $0x9FFFFFFF  }
0xc8: {  	(tm) =	ssettm $0x7FFFFFFF  }
0xc9: {  	_ =	shalt  }
tec
execute0_lowered:
.L_overlay_start_1:
0x0: {  	(tag) =	ssettag $0x1  }
0x1: {  	s0 =	rddreg [dreg:$0x0]  }
0x2: {  	s7 =	rddreg [dreg:$0x1]  }
0x3: {  	s5 =	rddreg [dreg:$0x2]  }
0x4: {  	s8 =	rddreg [dreg:$0x3]  }
0x5: {  	s1 =	rddreg [dreg:$0x4]  }
0x6: {  	s2 =	rddreg [dreg:$0x5];
	s3 =	simm.s32 $0x0;
	s4 =	srdreg.scid  }
0x7: {  	s9 =	stileid.u32;
	s13 =	simm.s32 $0x200;
	s14 =	simm.s32 $0x80  }
0x8: {  	s15 =	simm.s32 $0x400;
	s16 =	simm.s32 $0x8400;
	s28 =	simm.s32 $0xE400  }
0x9: {  	s29 =	simm.s32 $0x1;
	s30 =	simm.s32 $0x2;
	s31 =	simm.s32 $0x10400  }
0xa: {  	[smem:$0x7FF] =	sst s3;
	s6 =	sand.u32 $0x1, s4;
	s4 =	sadd.s32 $0x600, s5  }
0xb: {  	s12 =	sshll.u32 s9, $0x7;
	s5 =	sadd.s32 $0x2600, s5;
	p0 =	sne.s32 s9, $0x0  }
0xc: {  	_ =	strace $0x80000047;
	s10 =	ssub.s32 $0x2, s6;
	s6 =	sshll.u32 s6, $0x6  }
0xd: {  	s11 =	sshrl.u32 s10, $0x1;
	s26 =	sor.u32 s6, s12;
	s12 =	simm.s32 $0x3  }
0xe: {  	s10 =	ssub.s32 s10, s11;
	s6 =	sadd.s32 s0, s26;
	s7 =	sadd.s32 s7, s26  }
0xf: {  	v0 =	vlaneseq.u32;
	s8 =	sadd.s32 s8, s26;
	s11 =	sshrl.u32 @!p0 s2, $0x3;
	s26 =	simm.s32 $0x380  }
0x10: {  	v1 =	vmul.u32 $0x40, v0;
	v2 =	vand.u32 $0x7, v0;
	s0 =	simm.s32 $0x0;
	s9 =	smax.u32 s10, $0x1;
	s10 =	sshrl.u32 @!p0 s1, $0x3  }
.LBB2_1:
0x11: {  	s17 =	simm.s32 @!p0 $0x1C01  }
0x12: {  	[spmem:s10], [sflag:s17] =	dma.local @!p0 [hbm:s4], $0x1F40  }
0x13: {  	s17 =	simm.s32 @!p0 $0x1C02  }
0x14: {  	[spmem:s11], [sflag:s17] =	dma.local @!p0 [hbm:s5], $0x1F40  }
0x15: {  	s17 =	simm.s32 @!p0 $0x1  }
0x16: {  	_ =	swait.ge @!p0 [sflag:s17], $0x1F40  }
0x17: {  	[sflag:s17] =	ssyncset.done @!p0 $0x0  }
0x18: {  	[sflag:s17] =	ssyncadd.s32 @!p0 $0xFFFFE0C0;
	s17 =	simm.s32 @!p0 $0x2  }
0x19: {  	_ =	swait.ge @!p0 [sflag:s17], $0x1F40  }
0x1a: {  	[sflag:s17] =	ssyncset.done @!p0 $0x0  }
0x1b: {  	[sflag:s17] =	ssyncadd.s32 @!p0 $0xFFFFE0C0  }
0x1c: {  	[tilespmem:s3], [sflag:$0x3] =	stream.linear.gather [hbm4b:s6+s3], $0x200, $0x38;
	[tilespmem:$0x12540] =	vst v63  }
0x1d: {  	_ =	swait.ge [sflag:s12], $0x200  }
0x1e: {  	[sflag:s12] =	ssyncset.done $0x0  }
0x1f: {  	[sflag:s12] =	ssyncadd.s32 $0xFFFFFE00  }
0x20: {  	[tilespmem:s13], [sflag:$0x3] =	stream.linear.gather [hbm4b:s7+s3], $0x200, $0x38;
	[tilespmem:$0x12540] =	vst v63  }
0x21: {  	_ =	swait.ge [sflag:s12], $0x200  }
0x22: {  	[sflag:s12] =	ssyncset.done $0x0  }
0x23: {  	[sflag:s12] =	ssyncadd.s32 $0xFFFFFE00  }
0x24: {  	[bflag:$0x0] =	sbarrier.arrive $0xFFFF  }
0x25: {  	[tilespmem:s15], [sflag:$0x1] =	stream.indirect.gather [spmem:s1], $0x40, s3, s14, $0xb8;
	[tilespmem:$0x12540] =	vst v63  }
0x26: {  	_ = 	snop  }
0x27: {  	[tilespmem:s16], [sflag:$0x1] =	stream.indirect.gather [spmem:s2], $0x40, s13, s14, $0xb8;
	[tilespmem:$0x12540] =	vst v63  }
0x28: {  	s18 =	simm.s32 $0x2400  }
0x29: {  	[tilespmem:s18], [sflag:$0x1] =	stream.indirect.gather [spmem:s1], $0x40, s14, s14, $0xb8;
	[tilespmem:$0x12540] =	vst v63  }
0x2a: {  	s19 =	simm.s32 $0x280;
	s18 =	simm.s32 $0xA400  }
0x2b: {  	[tilespmem:s18], [sflag:$0x1] =	stream.indirect.gather [spmem:s2], $0x40, s19, s14, $0xb8;
	[tilespmem:$0x12540] =	vst v63  }
0x2c: {  	s20 =	simm.s32 $0x100;
	s21 =	simm.s32 $0x4400  }
0x2d: {  	[tilespmem:s21], [sflag:$0x2] =	stream.indirect.gather [spmem:s1], $0x40, s20, s14, $0xb8;
	[tilespmem:$0x12540] =	vst v63  }
0x2e: {  	s22 =	simm.s32 $0x300;
	s23 =	simm.s32 $0xC400  }
0x2f: {  	[tilespmem:s23], [sflag:$0x2] =	stream.indirect.gather [spmem:s2], $0x40, s22, s14, $0xb8;
	[tilespmem:$0x12540] =	vst v63  }
0x30: {  	s24 =	simm.s32 $0x180;
	s25 =	simm.s32 $0x6400  }
0x31: {  	[tilespmem:s25], [sflag:$0x2] =	stream.indirect.gather [spmem:s1], $0x40, s24, s14, $0xb8;
	[tilespmem:$0x12540] =	vst v63  }
0x32: {  	_ = 	snop  }
0x33: {  	[tilespmem:s28], [sflag:$0x2] =	stream.indirect.gather [spmem:s2], $0x40, s26, s14, $0xb8;
	[tilespmem:$0x12540] =	vst v63  }
0x34: {  	_ =	swait.ge [sflag:s29], $0x2000  }
0x35: {  	[sflag:s29] =	ssyncset.done $0x0  }
0x36: {  	[sflag:s29] =	ssyncadd.s32 $0xFFFFE000  }
0x37: {  	_ =	swait.ge [sflag:s29], $0x2000  }
0x38: {  	[sflag:s29] =	ssyncset.done $0x0  }
0x39: {  	[sflag:s29] =	ssyncadd.s32 $0xFFFFE000  }
0x3a: {  	_ =	swait.ge [sflag:s29], $0x2000  }
0x3b: {  	[sflag:s29] =	ssyncset.done $0x0  }
0x3c: {  	[sflag:s29] =	ssyncadd.s32 $0xFFFFE000  }
0x3d: {  	_ =	swait.ge [sflag:s29], $0x2000  }
0x3e: {  	[sflag:s29] =	ssyncset.done $0x0  }
0x3f: {  	s17 =	simm.s32 $0x0;
	[sflag:s29] =	ssyncadd.s32 $0xFFFFE000  }
.LBB2_2:
0x40: {  	s18 =	sshll.u32 s17, $0x4  }
0x41: {  	v3 =	vmov s18  }
0x42: {  	v3 =	vshll.u32 v3, $0x6  }
0x43: {  	v3 =	vor.u32 v1, v3  }
0x44: {  	s19 =	simm.s32 $0xF;
	s20 =	simm.s32 $0x0;
	v6 =	vor.u32 v0, v3  }
0x45: {  	v4 =	vadd.s32 s19, v0;
	v5 =	vor.u32 s20, v6  }
0x46: {  	s21 =	simm.s32 $0xC;
	v4 =	vand.u32 $0x3F, v4  }
0x47: {  	s22 =	simm.s32 $0xD;
	v7 =	vadd.s32 s21, v0;
	v4 =	vor.u32 v3, v4  }
0x48: {  	v8 =	vadd.s32 s22, v0;
	v7 =	vand.u32 $0x3F, v7  }
0x49: {  	s23 =	simm.s32 $0x8;
	v8 =	vand.u32 $0x3F, v8;
	v13 =	vor.u32 v3, v7  }
0x4a: {  	v10 =	vadd.s32 s23, v0;
	v14 =	vor.u32 v3, v8;
	v7 =	vld.idx.msk [tilespmem:v5+s15+$0x0], $0xffff  }
0x4b: {  	s24 =	simm.s32 $0x9;
	v8 =	vor.u32 v2, v3;
	v9 =	vld.idx.msk [tilespmem:v5+s16+$0x0], $0xffff;
	v5 =	vand.u32 $0x38, v10  }
0x4c: {  	v12 =	vadd.s32 s24, v0;
	v11 =	vld.idx.msk [tilespmem:v4+s16+$0x0], $0xffff;
	v15 =	vor.u32 v5, v8  }
0x4d: {  	s25 =	simm.s32 $0xA;
	v10 =	vld.idx.msk [tilespmem:v4+s15+$0x0], $0xffff;
	v4 =	vand.u32 $0x3F, v12  }
0x4e: {  	v12 =	vld.idx.msk [tilespmem:v13+s15+$0x0], $0xffff;
	v5 =	vadd.s32 s25, v0;
	v16 =	vor.u32 v3, v4  }
0x4f: {  	s21 =	simm.s32 $0x4;
	v4 =	vld.idx.msk [tilespmem:v14+s15+$0x0], $0xffff;
	v5 =	vand.u32 $0x3F, v5  }
0x50: {  	v17 =	vadd.s32 s21, v0;
	v18 =	vor.u32 v3, v5;
	v5 =	vld.idx.msk [tilespmem:v14+s16+$0x0], $0xffff  }
0x51: {  	v14 =	vand.u32 $0x3F, v17;
	v20 =	vld.idx.msk [tilespmem:v15+s15+$0x0], $0xffff  }
0x52: {  	s22 =	simm.s32 $0x5;
	v17 =	vor.u32 v3, v14;
	v22 =	vld.idx.msk [tilespmem:v15+s16+$0x0], $0xffff  }
0x53: {  	v14 =	vadd.s32 s22, v0;
	v21 =	vld.idx.msk [tilespmem:v16+s15+$0x0], $0xffff  }
0x54: {  	s23 =	simm.s32 $0x6;
	v14 =	vand.u32 $0x3F, v14;
	v23 =	vld.idx.msk [tilespmem:v16+s16+$0x0], $0xffff  }
0x55: {  	v19 =	vor.u32 v3, v14;
	v14 =	vadd.s32 s23, v0;
	v15 =	vld.idx.msk [tilespmem:v18+s15+$0x0], $0xffff  }
0x56: {  	s24 =	simm.s32 $0x1;
	v14 =	vand.u32 $0x3F, v14;
	v16 =	vld.idx.msk [tilespmem:v18+s16+$0x0], $0xffff  }
0x57: {  	v30 =	vor.u32 v3, v14;
	v18 =	vadd.s32 s24, v0;
	v24 =	vld.idx.msk [tilespmem:v17+s15+$0x0], $0xffff  }
0x58: {  	s21 =	simm.s32 $0x2;
	v27 =	vld.idx.msk [tilespmem:v17+s16+$0x0], $0xffff;
	v17 =	vand.u32 $0x3F, v18  }
0x59: {  	v25 =	vadd.s32 s21, v0;
	v13 =	vld.idx.msk [tilespmem:v13+s16+$0x0], $0xffff;
	s25 =	simm.s32 $0x3;
	v31 =	vor.u32 v3, v17  }
0x5a: {  	v18 =	vand.u32 $0x3F, v25;
	v25 =	vadd.s32 s25, v0;
	v26 =	vld.idx.msk [tilespmem:v19+s15+$0x0], $0xffff  }
0x5b: {  	v14 =	vimm.f32 $0.0e+00;
	v29 =	vor.u32 v3, v18;
	v32 =	vand.u32 $0x3F, v25;
	v28 =	vld.idx.msk [tilespmem:v19+s16+$0x0], $0xffff  }
0x5c: {  	s21 =	simm.s32 $0x1F;
	s20 =	simm.s32 $0x0;
	s22 =	simm.s32 $0x7;
	v17 =	vimm.f32 $0.0e+00;
	v18 =	vimm.f32 $0.0e+00;
	v19 =	vimm.f32 $0.0e+00;
	v25 =	vld.idx.msk [tilespmem:v30+s15+$0x0], $0xffff  }
.LBB2_3:
0x5d: {  	v33 =	vadd.s32 s21, v0;
	v32 =	vor.u32 v3, v32;
	v30 =	vld.idx.msk [tilespmem:v30+s16+$0x0], $0xffff;
	v34 =	vadd.s32 s22, v0  }
0x5e: {  	s22 =	sadd.s32 $0xFFFFFFFD, s21;
	s23 =	sadd.s32 $0xFFFFFFFC, s19;
	v33 =	vand.u32 $0x3F, v33;
	v35 =	vld.idx.msk [tilespmem:v31+s15+$0x0], $0xffff;
	v34 =	vand.u32 $0x3F, v34  }
0x5f: {  	v36 =	vadd.s32 s22, v0;
	s22 =	sadd.s32 $0xFFFFFFFE, s21;
	v37 =	vadd.s32 s23, v0;
	s23 =	sadd.s32 $0xFFFFFFFF, s19;
	s19 =	smov.u32 s21;
	v31 =	vld.idx.msk [tilespmem:v31+s16+$0x0], $0xffff;
	v34 =	vor.u32 v3, v34  }
0x60: {  	s24 =	sadd.s32 $0xFFFFFFF9, s21;
	s25 =	sadd.s32 $0xFFFFFFFA, s21;
	v38 =	vadd.s32 s22, v0;
	v37 =	vand.u32 $0x3F, v37;
	v40 =	vadd.s32 s23, v0;
	v39 =	vld.idx.msk [tilespmem:v29+s15+$0x0], $0xffff  }
0x61: {  	v41 =	vadd.s32 s24, v0;
	v42 =	vadd.s32 s25, v0;
	s22 =	sadd.s32 $0xFFFFFFF1, s21;
	s23 =	sadd.s32 $0xFFFFFFFB, s21;
	v37 =	vor.u32 v3, v37;
	v29 =	vld.idx.msk [tilespmem:v29+s16+$0x0], $0xffff  }
0x62: {  	v43 =	vor.u32 s22, v6;
	s22 =	sadd.s32 $0xFFFFFFF5, s21;
	v44 =	vadd.s32 s23, v0;
	v40 =	vand.u32 $0x3F, v40;
	v45 =	vld.idx.msk [tilespmem:v32+s15+$0x0], $0xffff  }
0x63: {  	v33 =	vor.u32 v3, v33;
	v46 =	vadd.s32 s22, v0;
	v40 =	vor.u32 v3, v40;
	v32 =	vld.idx.msk [tilespmem:v32+s16+$0x0], $0xffff  }
0x64: {  	v41 =	vand.u32 $0x38, v41;
	v36 =	vand.u32 $0x3F, v36;
	v38 =	vand.u32 $0x3F, v38;
	v47 =	vld.idx.msk [tilespmem:v34+s15+$0x0], $0xffff  }
0x65: {  	v9 =	vmul.f32 v9, v7;
	v48 =	vmul.f32 v11, v10;
	v42 =	vand.u32 $0x3F, v42;
	v34 =	vld.idx.msk [tilespmem:v34+s16+$0x0], $0xffff  }
0x66: {  	v20 =	vmul.f32 v22, v20;
	v49 =	vmul.f32 v13, v12;
	v36 =	vor.u32 v3, v36;
	v22 =	vld.idx.msk [tilespmem:v37+s15+$0x0], $0xffff  }
0x67: {  	v13 =	vmul.f32 v23, v21;
	v11 =	vmul.f32 v27, v24;
	v38 =	vor.u32 v3, v38;
	v12 =	vld.idx.msk [tilespmem:v37+s16+$0x0], $0xffff  }
0x68: {  	v21 =	vor.u32 v41, v8;
	v23 =	vmul.f32 v28, v26;
	v10 =	vmul.f32 v31, v35;
	v24 =	vld.idx.msk [tilespmem:v40+s15+$0x0], $0xffff  }
0x69: {  	v26 =	vor.u32 v3, v42;
	v27 =	vmul.f32 v29, v39;
	v28 =	vmul.f32 v32, v45;
	v29 =	vld.idx.msk [tilespmem:v40+s16+$0x0], $0xffff  }
0x6a: {  	v14 =	vadd.f32 v9, v14;
	v25 =	vmul.f32 v30, v25;
	v19 =	vadd.f32 v10, v19;
	v7 =	vld.idx.msk [tilespmem:v43+s15+$0x0], $0xffff  }
0x6b: {  	v17 =	vadd.f32 v27, v17;
	v18 =	vadd.f32 v28, v18;
	v27 =	vmul.f32 v34, v47;
	v9 =	vld.idx.msk [tilespmem:v43+s16+$0x0], $0xffff  }
0x6c: {  	v15 =	vmul.f32 v16, v15;
	v14 =	vadd.f32 v11, v14;
	v19 =	vadd.f32 v23, v19;
	v10 =	vld.idx.msk [tilespmem:v33+s15+$0x0], $0xffff  }
0x6d: {  	v16 =	vadd.f32 v25, v17;
	v17 =	vadd.f32 v27, v18;
	v18 =	vmul.f32 v12, v22;
	v11 =	vld.idx.msk [tilespmem:v33+s16+$0x0], $0xffff  }
0x6e: {  	v5 =	vmul.f32 v5, v4;
	v14 =	vadd.f32 v20, v14;
	v19 =	vadd.f32 v13, v19;
	v12 =	vld.idx.msk [tilespmem:v36+s15+$0x0], $0xffff  }
0x6f: {  	v15 =	vadd.f32 v15, v16;
	v16 =	vadd.f32 v18, v17;
	v17 =	vmul.f32 v29, v24;
	v13 =	vld.idx.msk [tilespmem:v36+s16+$0x0], $0xffff  }
0x70: {  	v14 =	vadd.f32 v49, v14;
	v19 =	vadd.f32 v5, v19;
	v18 =	vand.u32 $0x3F, v44;
	v4 =	vld.idx.msk [tilespmem:v38+s15+$0x0], $0xffff  }
0x71: {  	v24 =	vor.u32 v3, v18;
	v17 =	vadd.f32 v17, v15;
	v18 =	vadd.f32 v48, v16;
	v5 =	vld.idx.msk [tilespmem:v38+s16+$0x0], $0xffff  }
0x72: {  	s22 =	sadd.s32 $0xFFFFFFF6, s21;
	v15 =	vand.u32 $0x3F, v46;
	v20 =	vld.idx.msk [tilespmem:v21+s15+$0x0], $0xffff  }
0x73: {  	v25 =	vor.u32 v3, v15;
	v15 =	vadd.s32 s22, v0;
	v22 =	vld.idx.msk [tilespmem:v21+s16+$0x0], $0xffff  }
0x74: {  	s22 =	sadd.s32 $0xFFFFFFF7, s21;
	v15 =	vand.u32 $0x3F, v15;
	v21 =	vld.idx.msk [tilespmem:v26+s15+$0x0], $0xffff  }
0x75: {  	v28 =	vor.u32 v3, v15;
	v15 =	vadd.s32 s22, v0;
	v23 =	vld.idx.msk [tilespmem:v26+s16+$0x0], $0xffff  }
0x76: {  	s20 =	sadd.s32 $0x4, s20;
	s22 =	sadd.s32 $0xFFFFFFF2, s21;
	v16 =	vand.u32 $0x3F, v15;
	v15 =	vld.idx.msk [tilespmem:v24+s15+$0x0], $0xffff  }
0x77: {  	p1 =	slt.u32 s20, $0xC;
	v26 =	vadd.s32 s22, v0;
	v30 =	vor.u32 v3, v16;
	v16 =	vld.idx.msk [tilespmem:v24+s16+$0x0], $0xffff  }
.Ltmp0:
0x78: {  	s22 =	sadd.s32 $0xFFFFFFF3, s21;
	v26 =	vand.u32 $0x3F, v26;
	v24 =	vld.idx.msk [tilespmem:v25+s15+$0x0], $0xffff;
	(pc) =	sbr.rel @p1 .LBB2_3-.Ltmp0, $4  }
0x79: {  	v31 =	vor.u32 v3, v26;
	v26 =	vadd.s32 s22, v0;
	v27 =	vld.idx.msk [tilespmem:v25+s16+$0x0], $0xffff  }
0x7a: {  	s22 =	sadd.s32 $0xFFFFFFF4, s21;
	v25 =	vand.u32 $0x3F, v26;
	v26 =	vld.idx.msk [tilespmem:v28+s15+$0x0], $0xffff  }
0x7b: {  	v29 =	vor.u32 v3, v25;
	v25 =	vadd.s32 s22, v0;
	v28 =	vld.idx.msk [tilespmem:v28+s16+$0x0], $0xffff  }
0x7c: {  	s21 =	sadd.s32 $0x10, s21;
	s22 =	sadd.s32 $0xFFFFFFF8, s19;
	v32 =	vand.u32 $0x3F, v25;
	v25 =	vld.idx.msk [tilespmem:v30+s15+$0x0], $0xffff  }
0x7d: {  	_ =	sdelay $0x3  }
0x7e: {  	v6 =	vor.u32 v3, v32;
	v8 =	vld.idx.msk [tilespmem:v30+s16+$0x0], $0xffff;
	v44 =	vadd.s32 s22, v0  }
0x7f: {  	v45 =	vld.idx.msk [tilespmem:v31+s15+$0x0], $0xffff;
	s20 =	sadd.s32 $0xFFFFFFFC, s19;
	v30 =	vand.u32 $0x3F, v44  }
0x80: {  	v46 =	vld.idx.msk [tilespmem:v31+s16+$0x0], $0xffff;
	v33 =	vadd.s32 s20, v0;
	v30 =	vor.u32 v3, v30  }
0x81: {  	s25 =	sadd.s32 $0xFFFFFFFF, s19;
	v34 =	vld.idx.msk [tilespmem:v29+s15+$0x0], $0xffff;
	v33 =	vand.u32 $0x3F, v33  }
0x82: {  	v47 =	vld.idx.msk [tilespmem:v29+s16+$0x0], $0xffff;
	v35 =	vadd.s32 s25, v0;
	v33 =	vor.u32 v3, v33  }
0x83: {  	v35 =	vand.u32 $0x3F, v35;
	v36 =	vld.idx.msk [tilespmem:v6+s15+$0x0], $0xffff  }
0x84: {  	v3 =	vor.u32 v3, v35;
	v6 =	vld.idx.msk [tilespmem:v6+s16+$0x0], $0xffff  }
0x85: {  	v7 =	vmul.f32 v9, v7;
	v48 =	vld.idx.msk [tilespmem:v30+s15+$0x0], $0xffff  }
0x86: {  	v49 =	vmul.f32 v11, v10;
	v51 =	vmul.f32 v22, v20;
	v50 =	vld.idx.msk [tilespmem:v30+s16+$0x0], $0xffff  }
0x87: {  	v12 =	vmul.f32 v13, v12;
	v21 =	vmul.f32 v23, v21;
	v52 =	vld.idx.msk [tilespmem:v33+s15+$0x0], $0xffff  }
0x88: {  	v53 =	vmul.f32 v27, v24;
	v55 =	vmul.f32 v46, v45;
	v54 =	vld.idx.msk [tilespmem:v33+s16+$0x0], $0xffff  }
0x89: {  	v7 =	vadd.f32 v7, v14;
	v58 =	vmul.f32 v47, v34;
	v57 =	vld.idx.msk [tilespmem:v3+s15+$0x0], $0xffff;
	v6 =	vmul.f32 v6, v36  }
0x8a: {  	v56 =	vmul.f32 v28, v26;
	v8 =	vmul.f32 v8, v25;
	v59 =	vadd.f32 v55, v19;
	v3 =	vld.idx.msk [tilespmem:v3+s16+$0x0], $0xffff  }
0x8b: {  	v17 =	vadd.f32 v58, v17;
	v6 =	vadd.f32 v6, v18;
	v10 =	vmul.f32 v50, v48  }
0x8c: {  	v15 =	vmul.f32 v16, v15;
	v7 =	vadd.f32 v53, v7;
	v14 =	vadd.f32 v56, v59  }
0x8d: {  	v8 =	vadd.f32 v8, v17;
	v60 =	vmul.f32 v54, v52;
	v6 =	vadd.f32 v10, v6  }
0x8e: {  	v4 =	vmul.f32 v5, v4;
	v7 =	vadd.f32 v51, v7;
	v61 =	vadd.f32 v21, v14  }
0x8f: {  	v62 =	vadd.f32 v15, v8;
	v3 =	vmul.f32 v3, v57;
	v6 =	vadd.f32 v60, v6  }
0x90: {  	v7 =	vadd.f32 v12, v7;
	v4 =	vadd.f32 v4, v61  }
0x91: {  	s17 =	sadd.s32 $0x1, s17;
	v3 =	vadd.f32 v3, v62;
	v63 =	vadd.f32 v49, v6  }
0x92: {  	p1 =	sne.s32 s17, $0x10  }
.Ltmp1:
0x93: {  	v4 =	vadd.f32 v4, v7;
	v3 =	vadd.f32 v63, v3;
	(pc) =	sbr.rel @p1 .LBB2_2-.Ltmp1, $3  }
0x94: {  	_ = 	snop  }
0x95: {  	v3 =	vadd.f32 v3, v4;
	_ =	sdelay $0x1  }
0x96: {  	[tilespmem:s18+$0x10400] =	vst v3  }
0x97: {  	_ =	swait.ge [sflag:s30], $0x2000  }
0x98: {  	[sflag:s30] =	ssyncset.done $0x0  }
0x99: {  	[sflag:s30] =	ssyncadd.s32 $0xFFFFE000  }
0x9a: {  	_ =	swait.ge [sflag:s30], $0x2000  }
0x9b: {  	[sflag:s30] =	ssyncset.done $0x0  }
0x9c: {  	[sflag:s30] =	ssyncadd.s32 $0xFFFFE000  }
0x9d: {  	_ =	swait.ge [sflag:s30], $0x2000  }
0x9e: {  	[sflag:s30] =	ssyncset.done $0x0  }
0x9f: {  	[sflag:s30] =	ssyncadd.s32 $0xFFFFE000  }
0xa0: {  	_ =	swait.ge [sflag:s30], $0x2000  }
0xa1: {  	[sflag:s30] =	ssyncset.done $0x0  }
0xa2: {  	s17 =	simm.s32 $0x10;
	[sflag:s30] =	ssyncadd.s32 $0xFFFFE000  }
.LBB2_6:
0xa3: {  	s18 =	sshll.u32 s17, $0x4  }
0xa4: {  	v3 =	vmov s18  }
0xa5: {  	v3 =	vshll.u32 v3, $0x6  }
0xa6: {  	v3 =	vor.u32 v1, v3  }
0xa7: {  	s19 =	simm.s32 $0xF;
	s20 =	simm.s32 $0x0;
	v6 =	vor.u32 v0, v3  }
0xa8: {  	v4 =	vadd.s32 s19, v0;
	v5 =	vor.u32 s20, v6  }
0xa9: {  	s21 =	simm.s32 $0xC;
	v4 =	vand.u32 $0x3F, v4  }
0xaa: {  	s22 =	simm.s32 $0xD;
	v7 =	vadd.s32 s21, v0;
	v4 =	vor.u32 v3, v4  }
0xab: {  	v8 =	vadd.s32 s22, v0;
	v7 =	vand.u32 $0x3F, v7  }
0xac: {  	s23 =	simm.s32 $0x8;
	v8 =	vand.u32 $0x3F, v8;
	v13 =	vor.u32 v3, v7  }
0xad: {  	v10 =	vadd.s32 s23, v0;
	v14 =	vor.u32 v3, v8;
	v7 =	vld.idx.msk [tilespmem:v5+s15+$0x0], $0xffff  }
0xae: {  	s24 =	simm.s32 $0x9;
	v8 =	vor.u32 v2, v3;
	v9 =	vld.idx.msk [tilespmem:v5+s16+$0x0], $0xffff;
	v5 =	vand.u32 $0x38, v10  }
0xaf: {  	v12 =	vadd.s32 s24, v0;
	v11 =	vld.idx.msk [tilespmem:v4+s16+$0x0], $0xffff;
	v15 =	vor.u32 v5, v8  }
0xb0: {  	s25 =	simm.s32 $0xA;
	v10 =	vld.idx.msk [tilespmem:v4+s15+$0x0], $0xffff;
	v4 =	vand.u32 $0x3F, v12  }
0xb1: {  	v12 =	vld.idx.msk [tilespmem:v13+s15+$0x0], $0xffff;
	v5 =	vadd.s32 s25, v0;
	v16 =	vor.u32 v3, v4  }
0xb2: {  	s21 =	simm.s32 $0x4;
	v4 =	vld.idx.msk [tilespmem:v14+s15+$0x0], $0xffff;
	v5 =	vand.u32 $0x3F, v5  }
0xb3: {  	v17 =	vadd.s32 s21, v0;
	v18 =	vor.u32 v3, v5;
	v5 =	vld.idx.msk [tilespmem:v14+s16+$0x0], $0xffff  }
0xb4: {  	v14 =	vand.u32 $0x3F, v17;
	v20 =	vld.idx.msk [tilespmem:v15+s15+$0x0], $0xffff  }
0xb5: {  	s22 =	simm.s32 $0x5;
	v17 =	vor.u32 v3, v14;
	v22 =	vld.idx.msk [tilespmem:v15+s16+$0x0], $0xffff  }
0xb6: {  	v14 =	vadd.s32 s22, v0;
	v21 =	vld.idx.msk [tilespmem:v16+s15+$0x0], $0xffff  }
0xb7: {  	s23 =	simm.s32 $0x6;
	v14 =	vand.u32 $0x3F, v14;
	v23 =	vld.idx.msk [tilespmem:v16+s16+$0x0], $0xffff  }
0xb8: {  	v19 =	vor.u32 v3, v14;
	v14 =	vadd.s32 s23, v0;
	v15 =	vld.idx.msk [tilespmem:v18+s15+$0x0], $0xffff  }
0xb9: {  	s24 =	simm.s32 $0x1;
	v14 =	vand.u32 $0x3F, v14;
	v16 =	vld.idx.msk [tilespmem:v18+s16+$0x0], $0xffff  }
0xba: {  	v30 =	vor.u32 v3, v14;
	v18 =	vadd.s32 s24, v0;
	v24 =	vld.idx.msk [tilespmem:v17+s15+$0x0], $0xffff  }
0xbb: {  	s21 =	simm.s32 $0x2;
	v27 =	vld.idx.msk [tilespmem:v17+s16+$0x0], $0xffff;
	v17 =	vand.u32 $0x3F, v18  }
0xbc: {  	v25 =	vadd.s32 s21, v0;
	v13 =	vld.idx.msk [tilespmem:v13+s16+$0x0], $0xffff;
	s25 =	simm.s32 $0x3;
	v31 =	vor.u32 v3, v17  }
0xbd: {  	v18 =	vand.u32 $0x3F, v25;
	v25 =	vadd.s32 s25, v0;
	v26 =	vld.idx.msk [tilespmem:v19+s15+$0x0], $0xffff  }
0xbe: {  	v14 =	vimm.f32 $0.0e+00;
	v29 =	vor.u32 v3, v18;
	v32 =	vand.u32 $0x3F, v25;
	v28 =	vld.idx.msk [tilespmem:v19+s16+$0x0], $0xffff  }
0xbf: {  	s21 =	simm.s32 $0x1F;
	s20 =	simm.s32 $0x0;
	s22 =	simm.s32 $0x7;
	v17 =	vimm.f32 $0.0e+00;
	v18 =	vimm.f32 $0.0e+00;
	v19 =	vimm.f32 $0.0e+00;
	v25 =	vld.idx.msk [tilespmem:v30+s15+$0x0], $0xffff  }
.LBB2_7:
0xc0: {  	v33 =	vadd.s32 s21, v0;
	v32 =	vor.u32 v3, v32;
	v30 =	vld.idx.msk [tilespmem:v30+s16+$0x0], $0xffff;
	v34 =	vadd.s32 s22, v0  }
0xc1: {  	s22 =	sadd.s32 $0xFFFFFFFD, s21;
	s23 =	sadd.s32 $0xFFFFFFFC, s19;
	v33 =	vand.u32 $0x3F, v33;
	v35 =	vld.idx.msk [tilespmem:v31+s15+$0x0], $0xffff;
	v34 =	vand.u32 $0x3F, v34  }
0xc2: {  	v36 =	vadd.s32 s22, v0;
	s22 =	sadd.s32 $0xFFFFFFFE, s21;
	v37 =	vadd.s32 s23, v0;
	s23 =	sadd.s32 $0xFFFFFFFF, s19;
	s19 =	smov.u32 s21;
	v31 =	vld.idx.msk [tilespmem:v31+s16+$0x0], $0xffff;
	v34 =	vor.u32 v3, v34  }
0xc3: {  	s24 =	sadd.s32 $0xFFFFFFF9, s21;
	s25 =	sadd.s32 $0xFFFFFFFA, s21;
	v38 =	vadd.s32 s22, v0;
	v37 =	vand.u32 $0x3F, v37;
	v40 =	vadd.s32 s23, v0;
	v39 =	vld.idx.msk [tilespmem:v29+s15+$0x0], $0xffff  }
0xc4: {  	v41 =	vadd.s32 s24, v0;
	v42 =	vadd.s32 s25, v0;
	s22 =	sadd.s32 $0xFFFFFFF1, s21;
	s23 =	sadd.s32 $0xFFFFFFFB, s21;
	v37 =	vor.u32 v3, v37;
	v29 =	vld.idx.msk [tilespmem:v29+s16+$0x0], $0xffff  }
0xc5: {  	v43 =	vor.u32 s22, v6;
	s22 =	sadd.s32 $0xFFFFFFF5, s21;
	v44 =	vadd.s32 s23, v0;
	v40 =	vand.u32 $0x3F, v40;
	v45 =	vld.idx.msk [tilespmem:v32+s15+$0x0], $0xffff  }
0xc6: {  	v33 =	vor.u32 v3, v33;
	v46 =	vadd.s32 s22, v0;
	v40 =	vor.u32 v3, v40;
	v32 =	vld.idx.msk [tilespmem:v32+s16+$0x0], $0xffff  }
0xc7: {  	v41 =	vand.u32 $0x38, v41;
	v36 =	vand.u32 $0x3F, v36;
	v38 =	vand.u32 $0x3F, v38;
	v47 =	vld.idx.msk [tilespmem:v34+s15+$0x0], $0xffff  }
0xc8: {  	v9 =	vmul.f32 v9, v7;
	v48 =	vmul.f32 v11, v10;
	v42 =	vand.u32 $0x3F, v42;
	v34 =	vld.idx.msk [tilespmem:v34+s16+$0x0], $0xffff  }
0xc9: {  	v20 =	vmul.f32 v22, v20;
	v49 =	vmul.f32 v13, v12;
	v36 =	vor.u32 v3, v36;
	v22 =	vld.idx.msk [tilespmem:v37+s15+$0x0], $0xffff  }
0xca: {  	v13 =	vmul.f32 v23, v21;
	v11 =	vmul.f32 v27, v24;
	v38 =	vor.u32 v3, v38;
	v12 =	vld.idx.msk [tilespmem:v37+s16+$0x0], $0xffff  }
0xcb: {  	v21 =	vor.u32 v41, v8;
	v23 =	vmul.f32 v28, v26;
	v10 =	vmul.f32 v31, v35;
	v24 =	vld.idx.msk [tilespmem:v40+s15+$0x0], $0xffff  }
0xcc: {  	v26 =	vor.u32 v3, v42;
	v27 =	vmul.f32 v29, v39;
	v28 =	vmul.f32 v32, v45;
	v29 =	vld.idx.msk [tilespmem:v40+s16+$0x0], $0xffff  }
0xcd: {  	v14 =	vadd.f32 v9, v14;
	v25 =	vmul.f32 v30, v25;
	v19 =	vadd.f32 v10, v19;
	v7 =	vld.idx.msk [tilespmem:v43+s15+$0x0], $0xffff  }
0xce: {  	v17 =	vadd.f32 v27, v17;
	v18 =	vadd.f32 v28, v18;
	v27 =	vmul.f32 v34, v47;
	v9 =	vld.idx.msk [tilespmem:v43+s16+$0x0], $0xffff  }
0xcf: {  	v15 =	vmul.f32 v16, v15;
	v14 =	vadd.f32 v11, v14;
	v19 =	vadd.f32 v23, v19;
	v10 =	vld.idx.msk [tilespmem:v33+s15+$0x0], $0xffff  }
0xd0: {  	v16 =	vadd.f32 v25, v17;
	v17 =	vadd.f32 v27, v18;
	v18 =	vmul.f32 v12, v22;
	v11 =	vld.idx.msk [tilespmem:v33+s16+$0x0], $0xffff  }
0xd1: {  	v5 =	vmul.f32 v5, v4;
	v14 =	vadd.f32 v20, v14;
	v19 =	vadd.f32 v13, v19;
	v12 =	vld.idx.msk [tilespmem:v36+s15+$0x0], $0xffff  }
0xd2: {  	v15 =	vadd.f32 v15, v16;
	v16 =	vadd.f32 v18, v17;
	v17 =	vmul.f32 v29, v24;
	v13 =	vld.idx.msk [tilespmem:v36+s16+$0x0], $0xffff  }
0xd3: {  	v14 =	vadd.f32 v49, v14;
	v19 =	vadd.f32 v5, v19;
	v18 =	vand.u32 $0x3F, v44;
	v4 =	vld.idx.msk [tilespmem:v38+s15+$0x0], $0xffff  }
0xd4: {  	v24 =	vor.u32 v3, v18;
	v17 =	vadd.f32 v17, v15;
	v18 =	vadd.f32 v48, v16;
	v5 =	vld.idx.msk [tilespmem:v38+s16+$0x0], $0xffff  }
0xd5: {  	s22 =	sadd.s32 $0xFFFFFFF6, s21;
	v15 =	vand.u32 $0x3F, v46;
	v20 =	vld.idx.msk [tilespmem:v21+s15+$0x0], $0xffff  }
0xd6: {  	v25 =	vor.u32 v3, v15;
	v15 =	vadd.s32 s22, v0;
	v22 =	vld.idx.msk [tilespmem:v21+s16+$0x0], $0xffff  }
0xd7: {  	s22 =	sadd.s32 $0xFFFFFFF7, s21;
	v15 =	vand.u32 $0x3F, v15;
	v21 =	vld.idx.msk [tilespmem:v26+s15+$0x0], $0xffff  }
0xd8: {  	v28 =	vor.u32 v3, v15;
	v15 =	vadd.s32 s22, v0;
	v23 =	vld.idx.msk [tilespmem:v26+s16+$0x0], $0xffff  }
0xd9: {  	s20 =	sadd.s32 $0x4, s20;
	s22 =	sadd.s32 $0xFFFFFFF2, s21;
	v16 =	vand.u32 $0x3F, v15;
	v15 =	vld.idx.msk [tilespmem:v24+s15+$0x0], $0xffff  }
0xda: {  	p1 =	slt.u32 s20, $0xC;
	v26 =	vadd.s32 s22, v0;
	v30 =	vor.u32 v3, v16;
	v16 =	vld.idx.msk [tilespmem:v24+s16+$0x0], $0xffff  }
.Ltmp2:
0xdb: {  	s22 =	sadd.s32 $0xFFFFFFF3, s21;
	v26 =	vand.u32 $0x3F, v26;
	v24 =	vld.idx.msk [tilespmem:v25+s15+$0x0], $0xffff;
	(pc) =	sbr.rel @p1 .LBB2_7-.Ltmp2, $4  }
0xdc: {  	v31 =	vor.u32 v3, v26;
	v26 =	vadd.s32 s22, v0;
	v27 =	vld.idx.msk [tilespmem:v25+s16+$0x0], $0xffff  }
0xdd: {  	s22 =	sadd.s32 $0xFFFFFFF4, s21;
	v25 =	vand.u32 $0x3F, v26;
	v26 =	vld.idx.msk [tilespmem:v28+s15+$0x0], $0xffff  }
0xde: {  	v29 =	vor.u32 v3, v25;
	v25 =	vadd.s32 s22, v0;
	v28 =	vld.idx.msk [tilespmem:v28+s16+$0x0], $0xffff  }
0xdf: {  	s21 =	sadd.s32 $0x10, s21;
	s22 =	sadd.s32 $0xFFFFFFF8, s19;
	v32 =	vand.u32 $0x3F, v25;
	v25 =	vld.idx.msk [tilespmem:v30+s15+$0x0], $0xffff  }
0xe0: {  	_ =	sdelay $0x3  }
0xe1: {  	v6 =	vor.u32 v3, v32;
	v8 =	vld.idx.msk [tilespmem:v30+s16+$0x0], $0xffff;
	v44 =	vadd.s32 s22, v0  }
0xe2: {  	v45 =	vld.idx.msk [tilespmem:v31+s15+$0x0], $0xffff;
	s20 =	sadd.s32 $0xFFFFFFFC, s19;
	v30 =	vand.u32 $0x3F, v44  }
0xe3: {  	v46 =	vld.idx.msk [tilespmem:v31+s16+$0x0], $0xffff;
	v33 =	vadd.s32 s20, v0;
	v30 =	vor.u32 v3, v30  }
0xe4: {  	s25 =	sadd.s32 $0xFFFFFFFF, s19;
	v34 =	vld.idx.msk [tilespmem:v29+s15+$0x0], $0xffff;
	v33 =	vand.u32 $0x3F, v33  }
0xe5: {  	v47 =	vld.idx.msk [tilespmem:v29+s16+$0x0], $0xffff;
	v35 =	vadd.s32 s25, v0;
	v33 =	vor.u32 v3, v33  }
0xe6: {  	v35 =	vand.u32 $0x3F, v35;
	v36 =	vld.idx.msk [tilespmem:v6+s15+$0x0], $0xffff  }
0xe7: {  	v3 =	vor.u32 v3, v35;
	v6 =	vld.idx.msk [tilespmem:v6+s16+$0x0], $0xffff  }
0xe8: {  	v7 =	vmul.f32 v9, v7;
	v48 =	vld.idx.msk [tilespmem:v30+s15+$0x0], $0xffff  }
0xe9: {  	v49 =	vmul.f32 v11, v10;
	v51 =	vmul.f32 v22, v20;
	v50 =	vld.idx.msk [tilespmem:v30+s16+$0x0], $0xffff  }
0xea: {  	v12 =	vmul.f32 v13, v12;
	v21 =	vmul.f32 v23, v21;
	v52 =	vld.idx.msk [tilespmem:v33+s15+$0x0], $0xffff  }
0xeb: {  	v53 =	vmul.f32 v27, v24;
	v55 =	vmul.f32 v46, v45;
	v54 =	vld.idx.msk [tilespmem:v33+s16+$0x0], $0xffff  }
0xec: {  	v7 =	vadd.f32 v7, v14;
	v58 =	vmul.f32 v47, v34;
	v57 =	vld.idx.msk [tilespmem:v3+s15+$0x0], $0xffff;
	v6 =	vmul.f32 v6, v36  }
0xed: {  	v56 =	vmul.f32 v28, v26;
	v8 =	vmul.f32 v8, v25;
	v59 =	vadd.f32 v55, v19;
	v3 =	vld.idx.msk [tilespmem:v3+s16+$0x0], $0xffff  }
0xee: {  	v17 =	vadd.f32 v58, v17;
	v6 =	vadd.f32 v6, v18;
	v10 =	vmul.f32 v50, v48  }
0xef: {  	v15 =	vmul.f32 v16, v15;
	v7 =	vadd.f32 v53, v7;
	v14 =	vadd.f32 v56, v59  }
0xf0: {  	v8 =	vadd.f32 v8, v17;
	v60 =	vmul.f32 v54, v52;
	v6 =	vadd.f32 v10, v6  }
0xf1: {  	v4 =	vmul.f32 v5, v4;
	v7 =	vadd.f32 v51, v7;
	v61 =	vadd.f32 v21, v14  }
0xf2: {  	v62 =	vadd.f32 v15, v8;
	v3 =	vmul.f32 v3, v57;
	v6 =	vadd.f32 v60, v6  }
0xf3: {  	v7 =	vadd.f32 v12, v7;
	v4 =	vadd.f32 v4, v61  }
0xf4: {  	s17 =	sadd.s32 $0x1, s17;
	v3 =	vadd.f32 v3, v62;
	v63 =	vadd.f32 v49, v6  }
0xf5: {  	p1 =	sne.s32 s17, $0x20  }
.Ltmp3:
0xf6: {  	v4 =	vadd.f32 v4, v7;
	v3 =	vadd.f32 v63, v3;
	(pc) =	sbr.rel @p1 .LBB2_6-.Ltmp3, $3  }
0xf7: {  	_ = 	snop  }
0xf8: {  	v3 =	vadd.f32 v3, v4;
	_ =	sdelay $0x1  }
0xf9: {  	[tilespmem:s18+$0x10400] =	vst v3  }
0xfa: {  	s0 =	sadd.s32 $0x1, s0  }
0xfb: {  	p1 =	sne.s32 s0, s9  }
.Ltmp4:
0xfc: {  	_ = 	snop;
	(pc) =	sbr.rel @p1 .LBB2_1-.Ltmp4, $4  }
0xfd: {  	[hbm4b:s8+s3] =	stream.linear.scatter [tilespmem:s31], [sflag:$0x3], $0x200, $0x38;
	[tilespmem:$0x12540] =	vst v63  }
0xfe: {  	_ =	swait.ge [sflag:s12], $0x200  }
0xff: {  	[sflag:s12] =	ssyncset.done $0x0  }
0x100: {  	[sflag:s12] =	ssyncadd.s32 $0xFFFFFE00  }
0x101: {  	_ =	sfence.sel $0x180000  }
0x102: {  	[bflag:$0x0] =	sbarrier.arrive $0xFFFF  }
0x103: {  	_ =	strace $0x90000047  }
0x104: {  	[bflag:$0x2] =	sbarrier.arrive $0xFFFF  }
0x105: {  	s0 =	rddreg [dreg:$0x6]  }
0x106: {  	s0 =	sadd.s32 @!p0 $0x100000, s0  }
0x107: {  	[sflag:s0] =	ssyncadd.tile.s32 @!p0 $0x1;
	_ =	shalt  }
.Lfunc_end2:
_tile_overlayer_lowered:
.L_overlay_start_2:
0x108: {  	(tag) =	ssettag $0x2  }
0x109: {  	s0 =	rddreg [dreg:$0x0];
	s2 =	stileid.u32  }
0x10a: {  	s1 =	rddreg [dreg:$0x1];
	p0 =	sne.s32 s2, $0x0  }
0x10b: {  	s3 =	rddreg [dreg:$0x2];
	[bflag:$0x3] =	sbarrier.arrive $0xFFFF;
	s2 =	simm.s32 @!p0 $0x1C03  }
0x10c: {  	[timem:s3], [sflag:s2] =	dma.local @!p0 [hbm:s0], s1  }
0x10d: {  	s0 =	simm.s32 @!p0 $0x3  }
0x10e: {  	_ =	swait.ge @!p0 [sflag:s0], s1  }
0x10f: {  	s1 =	ssub.s32 @!p0 $0x0, s1;
	[sflag:s0] =	ssyncset.done @!p0 $0x0  }
0x110: {  	[sflag:s0] =	ssyncadd.s32 @!p0 s1  }
0x111: {  	[bflag:$0x3] =	sbarrier.arrive $0xFFFF  }
0x112: {  	_ =	shalt  }

</sc_bundles>
